<compile_context>
chip_gen: v7x
topology: tpu7x:2x2x1
jax: 0.10.2.dev20260603
libtpu: 0.0.44.dev20260713+nightly
codegen_flags: <defaults>
</compile_context>

<pallas_src>
import functools

import jax
import jax.numpy as jnp
from jax import lax
from jax.experimental import pallas as pl
from jax.experimental.pallas import tpu as pltpu
from jax.experimental.pallas import tpu_sc as plsc

_OFFSETS = (-2, -1, 1, 2)
_NSUB = 32
_LANES = 16


def _sc_band_body(nb, vs, nsub, nmax, ni_hbm, nw_hbm, *refs):
    nslots = len(_OFFSETS)
    w_hbm = refs[:nslots]
    ni_v, nw_v = refs[nslots], refs[nslots + 1]
    w_v = refs[nslots + 2 :]
    wid = lax.axis_index("s") * 2 + lax.axis_index("c")

    @pl.when(wid < nsub)
    def _strip():
        v0 = wid * vs
        pltpu.sync_copy(ni_hbm.at[pl.ds(v0, vs), :], ni_v)
        pltpu.sync_copy(nw_hbm.at[pl.ds(v0, vs), :], nw_v)

        lanes = lax.iota(jnp.int32, _LANES)

        def chunk(c, carry):
            base = c * _LANES
            vloc = base + lanes
            vabs = v0 + vloc
            accs = [jnp.zeros((_LANES,), jnp.float32) for _ in _OFFSETS]
            for k in range(nmax):
                col = jnp.full((_LANES,), k, jnp.int32)
                u = plsc.load_gather(ni_v, [vloc, col])
                w = plsc.load_gather(nw_v, [vloc, col])
                diff = u - vabs
                diff = jnp.where(diff > 2, diff - nb, diff)
                diff = jnp.where(diff < -2, diff + nb, diff)
                for slot, o in enumerate(_OFFSETS):
                    accs[slot] = accs[slot] + jnp.where(diff == o, w, 0.0)
            for slot in range(nslots):
                w_v[slot][pl.ds(base, _LANES)] = accs[slot]
            return carry

        lax.fori_loop(0, vs // _LANES, chunk, 0)
        for slot in range(nslots):
            pltpu.sync_copy(w_v[slot], w_hbm[slot].at[pl.ds(v0, vs)])


def _band_weights_sc(ni, nw):
    v, nmax = ni.shape
    nsub = _NSUB
    while v % (nsub * _LANES) != 0:
        nsub -= 1
    vs = v // nsub
    mesh = plsc.VectorSubcoreMesh(core_axis_name="c", subcore_axis_name="s")
    k = functools.partial(
        pl.kernel,
        mesh=mesh,
        out_type=[jax.ShapeDtypeStruct((v,), jnp.float32) for _ in _OFFSETS],
        scratch_types=[
            pltpu.VMEM((vs, nmax), jnp.int32),
            pltpu.VMEM((vs, nmax), jnp.float32),
        ]
        + [pltpu.VMEM((vs,), jnp.float32) for _ in _OFFSETS],
        compiler_params=pltpu.CompilerParams(needs_layout_passes=False),
    )(functools.partial(_sc_band_body, v, vs, nsub, nmax))
    return k(ni, nw)


def _roll_v(x, s):
    n = x.shape[-1]
    s = s % n
    if s == 0:
        return x
    return jnp.concatenate([x[..., s:], x[..., :s]], axis=-1)


def _loss_body(total, w0_ref, w1_ref, w2_ref, w3_ref, out_ref, tgt_ref, loss_ref):
    i = pl.program_id(0)

    @pl.when(i == 0)
    def _init():
        loss_ref[0, 0] = 0.0

    d = out_ref[...] - tgt_ref[...]
    acc = d
    for w_ref, o in zip((w0_ref, w1_ref, w2_ref, w3_ref), _OFFSETS):
        w = w_ref[...]
        acc = acc + w[None, None, :] * _roll_v(d, o)
    loss_ref[0, 0] += jnp.sum(acc * acc)

    @pl.when(i == pl.num_programs(0) - 1)
    def _final():
        loss_ref[0, 0] = loss_ref[0, 0] / total


def kernel(out, target, neighbor_idxs, neighbor_weights):
    b, nb, c = out.shape
    out3 = jnp.transpose(out, (2, 0, 1))
    tgt3 = jnp.transpose(target, (2, 0, 1))
    ws = _band_weights_sc(neighbor_idxs, neighbor_weights)

    bb = 8
    grid = (b // bb,)
    total = float(b * nb * c)
    res = pl.pallas_call(
        functools.partial(_loss_body, total),
        grid=grid,
        in_specs=[pl.BlockSpec((nb,), lambda i: (0,)) for _ in _OFFSETS]
        + [
            pl.BlockSpec((c, bb, nb), lambda i: (0, i, 0)),
            pl.BlockSpec((c, bb, nb), lambda i: (0, i, 0)),
        ],
        out_specs=pl.BlockSpec(
            (1, 1), lambda i: (0, 0), memory_space=pltpu.SMEM
        ),
        out_shape=jax.ShapeDtypeStruct((1, 1), jnp.float32),
    )(*ws, out3, tgt3)
    return jnp.reshape(res, ())

# --- scband reference (transcript-rebuilt; emitter-appended) ---
"""Pipeline reference for scband-laplacian-reg-19353122635780 (READ-ONLY COPY).

The authoritative reference and input builder live on the scoring server;
editing this copy changes nothing except your own understanding.
"""

import jax, jax.numpy as jnp
import numpy as np

V = 10000
F_FACES = 19996
NEIGH_MAX = 10
B = 64


def _build_faces():
    i = np.arange(F_FACES)
    return np.stack([i % V, (i + 1) % V, (i + 2) % V], axis=1).astype(np.int64)


def _get_neighbor(vertex_num, faces, neighbor_max_num=10):
    # Faithful replication of LaplacianReg.get_neighbor
    adj = {i: set() for i in range(vertex_num)}
    for face in faces:
        for idx in face:
            adj[int(idx)].update(set(int(v) for v in face) - {int(idx)})
    neighbor_idxs = np.zeros((vertex_num, neighbor_max_num), dtype=np.int32)
    neighbor_weights = np.zeros((vertex_num, neighbor_max_num), dtype=np.float32)
    for idx in range(vertex_num):
        neighbors = list(adj[idx])
        neighbor_num = min(len(neighbors), neighbor_max_num)
        if neighbor_num > 0:
            neighbor_idxs[idx, :neighbor_num] = neighbors[:neighbor_num]
            neighbor_weights[idx, :neighbor_num] = -1.0 / neighbor_num
        else:
            neighbor_idxs[idx, :] = idx
            neighbor_weights[idx, :] = 0.0
    return neighbor_idxs, neighbor_weights


def setup_inputs(seed: int = 0) -> dict:
    key = jax.random.key(seed)
    k1, k2 = jax.random.split(key)
    out = jax.random.normal(k1, (B, V, 3), dtype=jnp.float32)
    target = jax.random.normal(k2, (B, V, 3), dtype=jnp.float32)
    faces = _build_faces()
    ni, nw = _get_neighbor(V, faces, NEIGH_MAX)
    return {
        "out": out,
        "target": target,
        "neighbor_idxs": jnp.asarray(ni, dtype=jnp.int32),
        "neighbor_weights": jnp.asarray(nw, dtype=jnp.float32),
    }


def _compute_laplacian(x, neighbor_idxs, neighbor_weights):
    # x: [B, V, 3]; neighbor_idxs: [V, NEIGH_MAX] -> gather [B, V, NEIGH_MAX, 3]
    neighbor_x = jnp.take(x, neighbor_idxs, axis=1)
    weights = neighbor_weights[None, :, :, None]
    return x + (neighbor_x * weights).sum(axis=2)


def reference(out, target, neighbor_idxs, neighbor_weights):
    lap_out = _compute_laplacian(out, neighbor_idxs, neighbor_weights)
    lap_target = _compute_laplacian(target, neighbor_idxs, neighbor_weights)
    loss = (lap_out - lap_target) ** 2
    return loss.mean()

if __name__ == "__main__":
    import jax
    _d = setup_inputs()
    print(jax.jit(kernel)(*tuple(_d.values())))

</pallas_src>

<mosaic_0001>
#map = affine_map<(d0, d1) -> (0, 0)>
#map1 = affine_map<(d0, d1) -> (0)>
module attributes {stable_mosaic.version = 14 : i64} {
  func.func @_sc_band_body(%arg0: i32, %arg1: i32, %arg2: memref<10000x10xi32, #tpu.memory_space<hbm>>, %arg3: memref<10000x10xf32, #tpu.memory_space<hbm>>, %arg4: memref<10000xf32, #tpu.memory_space<hbm>>, %arg5: memref<10000xf32, #tpu.memory_space<hbm>>, %arg6: memref<10000xf32, #tpu.memory_space<hbm>>, %arg7: memref<10000xf32, #tpu.memory_space<hbm>>, %arg8: memref<400x10xi32, #tpu.memory_space<vmem>>, %arg9: memref<400x10xf32, #tpu.memory_space<vmem>>, %arg10: memref<400xf32, #tpu.memory_space<vmem>>, %arg11: memref<400xf32, #tpu.memory_space<vmem>>, %arg12: memref<400xf32, #tpu.memory_space<vmem>>, %arg13: memref<400xf32, #tpu.memory_space<vmem>>) attributes {dimension_semantics = [#tpu.dimension_semantics<core_parallel>, #tpu.dimension_semantics<subcore_parallel>], iteration_bounds = array<i64: 2, 16>, scalar_prefetch = 0 : i64, scratch_operands = 6 : i64, tpu.core_type = #tpu.core_type<sc_vector_subcore>, window_params = [{transform_indices = #map}, {transform_indices = #map}, {transform_indices = #map1}, {transform_indices = #map1}, {transform_indices = #map1}, {transform_indices = #map1}]} {
    %mul3A = arith.constant 2 : i32
    %mul3A_0 = arith.muli %arg1, %mul3A : i32
    %add3A = arith.addi %mul3A_0, %arg0 : i32
    %lt3A = arith.constant 25 : i32
    %lt3A_1 = arith.cmpi slt, %add3A, %lt3A : i32
    %convert_element_type3A = arith.extui %lt3A_1 : i1 to i32
    %cond3A = arith.constant 0 : i32
    %cond3A_2 = arith.cmpi ne, %convert_element_type3A, %cond3A : i32
    scf.if %cond3A_2 {
      %mul3A_3 = arith.constant 400 : i32
      %mul3A_4 = arith.muli %add3A, %mul3A_3 : i32
      "tpu.region"() ({
        %run_scoped3A = tpu.sem_alloc : memref<!tpu.dma_semaphore, #tpu.memory_space<semaphore_mem>>
        %dma_start3A = arith.constant 0 : i32
        %dma_start3A_10 = tpu.memref_slice %arg2[%mul3A_4, %dma_start3A] : memref<10000x10xi32, #tpu.memory_space<hbm>> -> memref<400x10xi32, #tpu.memory_space<hbm>>
        %dma_start3A_11 = arith.constant 0 : i32
        %dma_start3A_12 = tpu.memref_slice %arg2[%mul3A_4, %dma_start3A_11] : memref<10000x10xi32, #tpu.memory_space<hbm>> -> memref<400x10xi32, #tpu.memory_space<hbm>>
        tpu.enqueue_dma source(%dma_start3A_12 : memref<400x10xi32, #tpu.memory_space<hbm>>) target(%arg8 : memref<400x10xi32, #tpu.memory_space<vmem>>) target_semaphore(%run_scoped3A : memref<!tpu.dma_semaphore, #tpu.memory_space<semaphore_mem>>)
        %dma_wait3A = arith.constant 0 : i32
        %dma_wait3A_13 = tpu.memref_slice %arg2[%mul3A_4, %dma_wait3A] : memref<10000x10xi32, #tpu.memory_space<hbm>> -> memref<400x10xi32, #tpu.memory_space<hbm>>
        %dma_wait3A_14 = arith.constant 0 : i32
        %dma_wait3A_15 = tpu.memref_slice %arg2[%mul3A_4, %dma_wait3A_14] : memref<10000x10xi32, #tpu.memory_space<hbm>> -> memref<400x10xi32, #tpu.memory_space<hbm>>
        tpu.wait_dma2 semaphore(%run_scoped3A : memref<!tpu.dma_semaphore, #tpu.memory_space<semaphore_mem>>) src(%dma_wait3A_15 : memref<400x10xi32, #tpu.memory_space<hbm>>) dst(%arg8 : memref<400x10xi32, #tpu.memory_space<vmem>>)
        tpu.yield
      }) : () -> ()
      "tpu.region"() ({
        %run_scoped3A = tpu.sem_alloc : memref<!tpu.dma_semaphore, #tpu.memory_space<semaphore_mem>>
        %dma_start3A = arith.constant 0 : i32
        %dma_start3A_10 = tpu.memref_slice %arg3[%mul3A_4, %dma_start3A] : memref<10000x10xf32, #tpu.memory_space<hbm>> -> memref<400x10xf32, #tpu.memory_space<hbm>>
        %dma_start3A_11 = arith.constant 0 : i32
        %dma_start3A_12 = tpu.memref_slice %arg3[%mul3A_4, %dma_start3A_11] : memref<10000x10xf32, #tpu.memory_space<hbm>> -> memref<400x10xf32, #tpu.memory_space<hbm>>
        tpu.enqueue_dma source(%dma_start3A_12 : memref<400x10xf32, #tpu.memory_space<hbm>>) target(%arg9 : memref<400x10xf32, #tpu.memory_space<vmem>>) target_semaphore(%run_scoped3A : memref<!tpu.dma_semaphore, #tpu.memory_space<semaphore_mem>>)
        %dma_wait3A = arith.constant 0 : i32
        %dma_wait3A_13 = tpu.memref_slice %arg3[%mul3A_4, %dma_wait3A] : memref<10000x10xf32, #tpu.memory_space<hbm>> -> memref<400x10xf32, #tpu.memory_space<hbm>>
        %dma_wait3A_14 = arith.constant 0 : i32
        %dma_wait3A_15 = tpu.memref_slice %arg3[%mul3A_4, %dma_wait3A_14] : memref<10000x10xf32, #tpu.memory_space<hbm>> -> memref<400x10xf32, #tpu.memory_space<hbm>>
        tpu.wait_dma2 semaphore(%run_scoped3A : memref<!tpu.dma_semaphore, #tpu.memory_space<semaphore_mem>>) src(%dma_wait3A_15 : memref<400x10xf32, #tpu.memory_space<hbm>>) dst(%arg9 : memref<400x10xf32, #tpu.memory_space<vmem>>)
        tpu.yield
      }) : () -> ()
      %iota3A = tpu.iota {dimensions = array<i32: 0>} : vector<16xi32>
      %scan3A = arith.constant 0 : i32
      %scan3A_5 = arith.constant 0 : i32
      %scan3A_6 = arith.constant 25 : i32
      %scan3A_7 = arith.addi %scan3A_5, %scan3A_6 : i32
      %scan3A_8 = arith.constant 1 : i32
      scf.for %scan3A_10 = %scan3A_5 to %scan3A_7 step %scan3A_8  : i32 {
        %mul3A_11 = arith.constant 16 : i32
        %mul3A_12 = arith.muli %scan3A_10, %mul3A_11 : i32
        %add3A_13 = vector.broadcast %mul3A_12 : i32 to vector<16xi32>
        %add3A_14 = arith.addi %add3A_13, %iota3A : vector<16xi32>
        %add3A_15 = vector.broadcast %mul3A_4 : i32 to vector<16xi32>
        %add3A_16 = arith.addi %add3A_15, %add3A_14 : vector<16xi32>
        %broadcast_in_dim3A = arith.constant 0.000000e+00 : f32
        %broadcast_in_dim3A_17 = vector.broadcast %broadcast_in_dim3A : f32 to vector<16xf32>
        %broadcast_in_dim3A_18 = arith.constant 0.000000e+00 : f32
        %broadcast_in_dim3A_19 = vector.broadcast %broadcast_in_dim3A_18 : f32 to vector<16xf32>
        %broadcast_in_dim3A_20 = arith.constant 0.000000e+00 : f32
        %broadcast_in_dim3A_21 = vector.broadcast %broadcast_in_dim3A_20 : f32 to vector<16xf32>
        %broadcast_in_dim3A_22 = arith.constant 0.000000e+00 : f32
        %broadcast_in_dim3A_23 = vector.broadcast %broadcast_in_dim3A_22 : f32 to vector<16xf32>
        %broadcast_in_dim3A_24 = arith.constant 0 : i32
        %broadcast_in_dim3A_25 = vector.broadcast %broadcast_in_dim3A_24 : i32 to vector<16xi32>
        %gather3A = tpu.vector_load_idx %arg8[%add3A_14, %broadcast_in_dim3A_25] : memref<400x10xi32, #tpu.memory_space<vmem>>[vector<16xi32>, vector<16xi32>], vector<16xi32>,
        %gather3A_26 = tpu.vector_load_idx %arg9[%add3A_14, %broadcast_in_dim3A_25] : memref<400x10xf32, #tpu.memory_space<vmem>>[vector<16xi32>, vector<16xi32>], vector<16xf32>,
        %sub3A = arith.subi %gather3A, %add3A_16 : vector<16xi32>
        %gt3A = arith.constant 2 : i32
        %gt3A_27 = vector.broadcast %gt3A : i32 to vector<16xi32>
        %gt3A_28 = arith.cmpi sgt, %sub3A, %gt3A_27 : vector<16xi32>
        %sub3A_29 = arith.constant 10000 : i32
        %sub3A_30 = vector.broadcast %sub3A_29 : i32 to vector<16xi32>
        %sub3A_31 = arith.subi %sub3A, %sub3A_30 : vector<16xi32>
        %select_n3A = arith.select %gt3A_28, %sub3A_31, %sub3A : vector<16xi1>, vector<16xi32>
        %lt3A_32 = arith.constant -2 : i32
        %lt3A_33 = vector.broadcast %lt3A_32 : i32 to vector<16xi32>
        %lt3A_34 = arith.cmpi slt, %select_n3A, %lt3A_33 : vector<16xi32>
        %add3A_35 = arith.constant 10000 : i32
        %add3A_36 = vector.broadcast %add3A_35 : i32 to vector<16xi32>
        %add3A_37 = arith.addi %select_n3A, %add3A_36 : vector<16xi32>
        %select_n3A_38 = arith.select %lt3A_34, %add3A_37, %select_n3A : vector<16xi1>, vector<16xi32>
        %eq3A = arith.constant -2 : i32
        %eq3A_39 = vector.broadcast %eq3A : i32 to vector<16xi32>
        %eq3A_40 = arith.cmpi eq, %select_n3A_38, %eq3A_39 : vector<16xi32>
        %jit3A = arith.constant 0.000000e+00 : f32
        %broadcast_in_dim3A_41 = vector.broadcast %jit3A : f32 to vector<16xf32>
        %select_n3A_42 = arith.select %eq3A_40, %gather3A_26, %broadcast_in_dim3A_41 : vector<16xi1>, vector<16xf32>
        %add3A_43 = arith.addf %broadcast_in_dim3A_17, %select_n3A_42 : vector<16xf32>
        %eq3A_44 = arith.constant -1 : i32
        %eq3A_45 = vector.broadcast %eq3A_44 : i32 to vector<16xi32>
        %eq3A_46 = arith.cmpi eq, %select_n3A_38, %eq3A_45 : vector<16xi32>
        %jit3A_47 = arith.constant 0.000000e+00 : f32
        %broadcast_in_dim3A_48 = vector.broadcast %jit3A_47 : f32 to vector<16xf32>
        %select_n3A_49 = arith.select %eq3A_46, %gather3A_26, %broadcast_in_dim3A_48 : vector<16xi1>, vector<16xf32>
        %add3A_50 = arith.addf %broadcast_in_dim3A_19, %select_n3A_49 : vector<16xf32>
        %eq3A_51 = arith.constant 1 : i32
        %eq3A_52 = vector.broadcast %eq3A_51 : i32 to vector<16xi32>
        %eq3A_53 = arith.cmpi eq, %select_n3A_38, %eq3A_52 : vector<16xi32>
        %jit3A_54 = arith.constant 0.000000e+00 : f32
        %broadcast_in_dim3A_55 = vector.broadcast %jit3A_54 : f32 to vector<16xf32>
        %select_n3A_56 = arith.select %eq3A_53, %gather3A_26, %broadcast_in_dim3A_55 : vector<16xi1>, vector<16xf32>
        %add3A_57 = arith.addf %broadcast_in_dim3A_21, %select_n3A_56 : vector<16xf32>
        %eq3A_58 = arith.constant 2 : i32
        %eq3A_59 = vector.broadcast %eq3A_58 : i32 to vector<16xi32>
        %eq3A_60 = arith.cmpi eq, %select_n3A_38, %eq3A_59 : vector<16xi32>
        %jit3A_61 = arith.constant 0.000000e+00 : f32
        %broadcast_in_dim3A_62 = vector.broadcast %jit3A_61 : f32 to vector<16xf32>
        %select_n3A_63 = arith.select %eq3A_60, %gather3A_26, %broadcast_in_dim3A_62 : vector<16xi1>, vector<16xf32>
        %add3A_64 = arith.addf %broadcast_in_dim3A_23, %select_n3A_63 : vector<16xf32>
        %broadcast_in_dim3A_65 = arith.constant 1 : i32
        %broadcast_in_dim3A_66 = vector.broadcast %broadcast_in_dim3A_65 : i32 to vector<16xi32>
        %gather3A_67 = tpu.vector_load_idx %arg8[%add3A_14, %broadcast_in_dim3A_66] : memref<400x10xi32, #tpu.memory_space<vmem>>[vector<16xi32>, vector<16xi32>], vector<16xi32>,
        %gather3A_68 = tpu.vector_load_idx %arg9[%add3A_14, %broadcast_in_dim3A_66] : memref<400x10xf32, #tpu.memory_space<vmem>>[vector<16xi32>, vector<16xi32>], vector<16xf32>,
        %sub3A_69 = arith.subi %gather3A_67, %add3A_16 : vector<16xi32>
        %gt3A_70 = arith.constant 2 : i32
        %gt3A_71 = vector.broadcast %gt3A_70 : i32 to vector<16xi32>
        %gt3A_72 = arith.cmpi sgt, %sub3A_69, %gt3A_71 : vector<16xi32>
        %sub3A_73 = arith.constant 10000 : i32
        %sub3A_74 = vector.broadcast %sub3A_73 : i32 to vector<16xi32>
        %sub3A_75 = arith.subi %sub3A_69, %sub3A_74 : vector<16xi32>
        %select_n3A_76 = arith.select %gt3A_72, %sub3A_75, %sub3A_69 : vector<16xi1>, vector<16xi32>
        %lt3A_77 = arith.constant -2 : i32
        %lt3A_78 = vector.broadcast %lt3A_77 : i32 to vector<16xi32>
        %lt3A_79 = arith.cmpi slt, %select_n3A_76, %lt3A_78 : vector<16xi32>
        %add3A_80 = arith.constant 10000 : i32
        %add3A_81 = vector.broadcast %add3A_80 : i32 to vector<16xi32>
        %add3A_82 = arith.addi %select_n3A_76, %add3A_81 : vector<16xi32>
        %select_n3A_83 = arith.select %lt3A_79, %add3A_82, %select_n3A_76 : vector<16xi1>, vector<16xi32>
        %eq3A_84 = arith.constant -2 : i32
        %eq3A_85 = vector.broadcast %eq3A_84 : i32 to vector<16xi32>
        %eq3A_86 = arith.cmpi eq, %select_n3A_83, %eq3A_85 : vector<16xi32>
        %jit3A_87 = arith.constant 0.000000e+00 : f32
        %broadcast_in_dim3A_88 = vector.broadcast %jit3A_87 : f32 to vector<16xf32>
        %select_n3A_89 = arith.select %eq3A_86, %gather3A_68, %broadcast_in_dim3A_88 : vector<16xi1>, vector<16xf32>
        %add3A_90 = arith.addf %add3A_43, %select_n3A_89 : vector<16xf32>
        %eq3A_91 = arith.constant -1 : i32
        %eq3A_92 = vector.broadcast %eq3A_91 : i32 to vector<16xi32>
        %eq3A_93 = arith.cmpi eq, %select_n3A_83, %eq3A_92 : vector<16xi32>
        %jit3A_94 = arith.constant 0.000000e+00 : f32
        %broadcast_in_dim3A_95 = vector.broadcast %jit3A_94 : f32 to vector<16xf32>
        %select_n3A_96 = arith.select %eq3A_93, %gather3A_68, %broadcast_in_dim3A_95 : vector<16xi1>, vector<16xf32>
        %add3A_97 = arith.addf %add3A_50, %select_n3A_96 : vector<16xf32>
        %eq3A_98 = arith.constant 1 : i32
        %eq3A_99 = vector.broadcast %eq3A_98 : i32 to vector<16xi32>
        %eq3A_100 = arith.cmpi eq, %select_n3A_83, %eq3A_99 : vector<16xi32>
        %jit3A_101 = arith.constant 0.000000e+00 : f32
        %broadcast_in_dim3A_102 = vector.broadcast %jit3A_101 : f32 to vector<16xf32>
        %select_n3A_103 = arith.select %eq3A_100, %gather3A_68, %broadcast_in_dim3A_102 : vector<16xi1>, vector<16xf32>
        %add3A_104 = arith.addf %add3A_57, %select_n3A_103 : vector<16xf32>
        %eq3A_105 = arith.constant 2 : i32
        %eq3A_106 = vector.broadcast %eq3A_105 : i32 to vector<16xi32>
        %eq3A_107 = arith.cmpi eq, %select_n3A_83, %eq3A_106 : vector<16xi32>
        %jit3A_108 = arith.constant 0.000000e+00 : f32
        %broadcast_in_dim3A_109 = vector.broadcast %jit3A_108 : f32 to vector<16xf32>
        %select_n3A_110 = arith.select %eq3A_107, %gather3A_68, %broadcast_in_dim3A_109 : vector<16xi1>, vector<16xf32>
        %add3A_111 = arith.addf %add3A_64, %select_n3A_110 : vector<16xf32>
        %broadcast_in_dim3A_112 = arith.constant 2 : i32
        %broadcast_in_dim3A_113 = vector.broadcast %broadcast_in_dim3A_112 : i32 to vector<16xi32>
        %gather3A_114 = tpu.vector_load_idx %arg8[%add3A_14, %broadcast_in_dim3A_113] : memref<400x10xi32, #tpu.memory_space<vmem>>[vector<16xi32>, vector<16xi32>], vector<16xi32>,
        %gather3A_115 = tpu.vector_load_idx %arg9[%add3A_14, %broadcast_in_dim3A_113] : memref<400x10xf32, #tpu.memory_space<vmem>>[vector<16xi32>, vector<16xi32>], vector<16xf32>,
        %sub3A_116 = arith.subi %gather3A_114, %add3A_16 : vector<16xi32>
        %gt3A_117 = arith.constant 2 : i32
        %gt3A_118 = vector.broadcast %gt3A_117 : i32 to vector<16xi32>
        %gt3A_119 = arith.cmpi sgt, %sub3A_116, %gt3A_118 : vector<16xi32>
        %sub3A_120 = arith.constant 10000 : i32
        %sub3A_121 = vector.broadcast %sub3A_120 : i32 to vector<16xi32>
        %sub3A_122 = arith.subi %sub3A_116, %sub3A_121 : vector<16xi32>
        %select_n3A_123 = arith.select %gt3A_119, %sub3A_122, %sub3A_116 : vector<16xi1>, vector<16xi32>
        %lt3A_124 = arith.constant -2 : i32
        %lt3A_125 = vector.broadcast %lt3A_124 : i32 to vector<16xi32>
        %lt3A_126 = arith.cmpi slt, %select_n3A_123, %lt3A_125 : vector<16xi32>
        %add3A_127 = arith.constant 10000 : i32
        %add3A_128 = vector.broadcast %add3A_127 : i32 to vector<16xi32>
        %add3A_129 = arith.addi %select_n3A_123, %add3A_128 : vector<16xi32>
        %select_n3A_130 = arith.select %lt3A_126, %add3A_129, %select_n3A_123 : vector<16xi1>, vector<16xi32>
        %eq3A_131 = arith.constant -2 : i32
        %eq3A_132 = vector.broadcast %eq3A_131 : i32 to vector<16xi32>
        %eq3A_133 = arith.cmpi eq, %select_n3A_130, %eq3A_132 : vector<16xi32>
        %jit3A_134 = arith.constant 0.000000e+00 : f32
        %broadcast_in_dim3A_135 = vector.broadcast %jit3A_134 : f32 to vector<16xf32>
        %select_n3A_136 = arith.select %eq3A_133, %gather3A_115, %broadcast_in_dim3A_135 : vector<16xi1>, vector<16xf32>
        %add3A_137 = arith.addf %add3A_90, %select_n3A_136 : vector<16xf32>
        %eq3A_138 = arith.constant -1 : i32
        %eq3A_139 = vector.broadcast %eq3A_138 : i32 to vector<16xi32>
        %eq3A_140 = arith.cmpi eq, %select_n3A_130, %eq3A_139 : vector<16xi32>
        %jit3A_141 = arith.constant 0.000000e+00 : f32
        %broadcast_in_dim3A_142 = vector.broadcast %jit3A_141 : f32 to vector<16xf32>
        %select_n3A_143 = arith.select %eq3A_140, %gather3A_115, %broadcast_in_dim3A_142 : vector<16xi1>, vector<16xf32>
        %add3A_144 = arith.addf %add3A_97, %select_n3A_143 : vector<16xf32>
        %eq3A_145 = arith.constant 1 : i32
        %eq3A_146 = vector.broadcast %eq3A_145 : i32 to vector<16xi32>
        %eq3A_147 = arith.cmpi eq, %select_n3A_130, %eq3A_146 : vector<16xi32>
        %jit3A_148 = arith.constant 0.000000e+00 : f32
        %broadcast_in_dim3A_149 = vector.broadcast %jit3A_148 : f32 to vector<16xf32>
        %select_n3A_150 = arith.select %eq3A_147, %gather3A_115, %broadcast_in_dim3A_149 : vector<16xi1>, vector<16xf32>
        %add3A_151 = arith.addf %add3A_104, %select_n3A_150 : vector<16xf32>
        %eq3A_152 = arith.constant 2 : i32
        %eq3A_153 = vector.broadcast %eq3A_152 : i32 to vector<16xi32>
        %eq3A_154 = arith.cmpi eq, %select_n3A_130, %eq3A_153 : vector<16xi32>
        %jit3A_155 = arith.constant 0.000000e+00 : f32
        %broadcast_in_dim3A_156 = vector.broadcast %jit3A_155 : f32 to vector<16xf32>
        %select_n3A_157 = arith.select %eq3A_154, %gather3A_115, %broadcast_in_dim3A_156 : vector<16xi1>, vector<16xf32>
        %add3A_158 = arith.addf %add3A_111, %select_n3A_157 : vector<16xf32>
        %broadcast_in_dim3A_159 = arith.constant 3 : i32
        %broadcast_in_dim3A_160 = vector.broadcast %broadcast_in_dim3A_159 : i32 to vector<16xi32>
        %gather3A_161 = tpu.vector_load_idx %arg8[%add3A_14, %broadcast_in_dim3A_160] : memref<400x10xi32, #tpu.memory_space<vmem>>[vector<16xi32>, vector<16xi32>], vector<16xi32>,
        %gather3A_162 = tpu.vector_load_idx %arg9[%add3A_14, %broadcast_in_dim3A_160] : memref<400x10xf32, #tpu.memory_space<vmem>>[vector<16xi32>, vector<16xi32>], vector<16xf32>,
        %sub3A_163 = arith.subi %gather3A_161, %add3A_16 : vector<16xi32>
        %gt3A_164 = arith.constant 2 : i32
        %gt3A_165 = vector.broadcast %gt3A_164 : i32 to vector<16xi32>
        %gt3A_166 = arith.cmpi sgt, %sub3A_163, %gt3A_165 : vector<16xi32>
        %sub3A_167 = arith.constant 10000 : i32
        %sub3A_168 = vector.broadcast %sub3A_167 : i32 to vector<16xi32>
        %sub3A_169 = arith.subi %sub3A_163, %sub3A_168 : vector<16xi32>
        %select_n3A_170 = arith.select %gt3A_166, %sub3A_169, %sub3A_163 : vector<16xi1>, vector<16xi32>
        %lt3A_171 = arith.constant -2 : i32
        %lt3A_172 = vector.broadcast %lt3A_171 : i32 to vector<16xi32>
        %lt3A_173 = arith.cmpi slt, %select_n3A_170, %lt3A_172 : vector<16xi32>
        %add3A_174 = arith.constant 10000 : i32
        %add3A_175 = vector.broadcast %add3A_174 : i32 to vector<16xi32>
        %add3A_176 = arith.addi %select_n3A_170, %add3A_175 : vector<16xi32>
        %select_n3A_177 = arith.select %lt3A_173, %add3A_176, %select_n3A_170 : vector<16xi1>, vector<16xi32>
        %eq3A_178 = arith.constant -2 : i32
        %eq3A_179 = vector.broadcast %eq3A_178 : i32 to vector<16xi32>
        %eq3A_180 = arith.cmpi eq, %select_n3A_177, %eq3A_179 : vector<16xi32>
        %jit3A_181 = arith.constant 0.000000e+00 : f32
        %broadcast_in_dim3A_182 = vector.broadcast %jit3A_181 : f32 to vector<16xf32>
        %select_n3A_183 = arith.select %eq3A_180, %gather3A_162, %broadcast_in_dim3A_182 : vector<16xi1>, vector<16xf32>
        %add3A_184 = arith.addf %add3A_137, %select_n3A_183 : vector<16xf32>
        %eq3A_185 = arith.constant -1 : i32
        %eq3A_186 = vector.broadcast %eq3A_185 : i32 to vector<16xi32>
        %eq3A_187 = arith.cmpi eq, %select_n3A_177, %eq3A_186 : vector<16xi32>
        %jit3A_188 = arith.constant 0.000000e+00 : f32
        %broadcast_in_dim3A_189 = vector.broadcast %jit3A_188 : f32 to vector<16xf32>
        %select_n3A_190 = arith.select %eq3A_187, %gather3A_162, %broadcast_in_dim3A_189 : vector<16xi1>, vector<16xf32>
        %add3A_191 = arith.addf %add3A_144, %select_n3A_190 : vector<16xf32>
        %eq3A_192 = arith.constant 1 : i32
        %eq3A_193 = vector.broadcast %eq3A_192 : i32 to vector<16xi32>
        %eq3A_194 = arith.cmpi eq, %select_n3A_177, %eq3A_193 : vector<16xi32>
        %jit3A_195 = arith.constant 0.000000e+00 : f32
        %broadcast_in_dim3A_196 = vector.broadcast %jit3A_195 : f32 to vector<16xf32>
        %select_n3A_197 = arith.select %eq3A_194, %gather3A_162, %broadcast_in_dim3A_196 : vector<16xi1>, vector<16xf32>
        %add3A_198 = arith.addf %add3A_151, %select_n3A_197 : vector<16xf32>
        %eq3A_199 = arith.constant 2 : i32
        %eq3A_200 = vector.broadcast %eq3A_199 : i32 to vector<16xi32>
        %eq3A_201 = arith.cmpi eq, %select_n3A_177, %eq3A_200 : vector<16xi32>
        %jit3A_202 = arith.constant 0.000000e+00 : f32
        %broadcast_in_dim3A_203 = vector.broadcast %jit3A_202 : f32 to vector<16xf32>
        %select_n3A_204 = arith.select %eq3A_201, %gather3A_162, %broadcast_in_dim3A_203 : vector<16xi1>, vector<16xf32>
        %add3A_205 = arith.addf %add3A_158, %select_n3A_204 : vector<16xf32>
        %broadcast_in_dim3A_206 = arith.constant 4 : i32
        %broadcast_in_dim3A_207 = vector.broadcast %broadcast_in_dim3A_206 : i32 to vector<16xi32>
        %gather3A_208 = tpu.vector_load_idx %arg8[%add3A_14, %broadcast_in_dim3A_207] : memref<400x10xi32, #tpu.memory_space<vmem>>[vector<16xi32>, vector<16xi32>], vector<16xi32>,
        %gather3A_209 = tpu.vector_load_idx %arg9[%add3A_14, %broadcast_in_dim3A_207] : memref<400x10xf32, #tpu.memory_space<vmem>>[vector<16xi32>, vector<16xi32>], vector<16xf32>,
        %sub3A_210 = arith.subi %gather3A_208, %add3A_16 : vector<16xi32>
        %gt3A_211 = arith.constant 2 : i32
        %gt3A_212 = vector.broadcast %gt3A_211 : i32 to vector<16xi32>
        %gt3A_213 = arith.cmpi sgt, %sub3A_210, %gt3A_212 : vector<16xi32>
        %sub3A_214 = arith.constant 10000 : i32
        %sub3A_215 = vector.broadcast %sub3A_214 : i32 to vector<16xi32>
        %sub3A_216 = arith.subi %sub3A_210, %sub3A_215 : vector<16xi32>
        %select_n3A_217 = arith.select %gt3A_213, %sub3A_216, %sub3A_210 : vector<16xi1>, vector<16xi32>
        %lt3A_218 = arith.constant -2 : i32
        %lt3A_219 = vector.broadcast %lt3A_218 : i32 to vector<16xi32>
        %lt3A_220 = arith.cmpi slt, %select_n3A_217, %lt3A_219 : vector<16xi32>
        %add3A_221 = arith.constant 10000 : i32
        %add3A_222 = vector.broadcast %add3A_221 : i32 to vector<16xi32>
        %add3A_223 = arith.addi %select_n3A_217, %add3A_222 : vector<16xi32>
        %select_n3A_224 = arith.select %lt3A_220, %add3A_223, %select_n3A_217 : vector<16xi1>, vector<16xi32>
        %eq3A_225 = arith.constant -2 : i32
        %eq3A_226 = vector.broadcast %eq3A_225 : i32 to vector<16xi32>
        %eq3A_227 = arith.cmpi eq, %select_n3A_224, %eq3A_226 : vector<16xi32>
        %jit3A_228 = arith.constant 0.000000e+00 : f32
        %broadcast_in_dim3A_229 = vector.broadcast %jit3A_228 : f32 to vector<16xf32>
        %select_n3A_230 = arith.select %eq3A_227, %gather3A_209, %broadcast_in_dim3A_229 : vector<16xi1>, vector<16xf32>
        %add3A_231 = arith.addf %add3A_184, %select_n3A_230 : vector<16xf32>
        %eq3A_232 = arith.constant -1 : i32
        %eq3A_233 = vector.broadcast %eq3A_232 : i32 to vector<16xi32>
        %eq3A_234 = arith.cmpi eq, %select_n3A_224, %eq3A_233 : vector<16xi32>
        %jit3A_235 = arith.constant 0.000000e+00 : f32
        %broadcast_in_dim3A_236 = vector.broadcast %jit3A_235 : f32 to vector<16xf32>
        %select_n3A_237 = arith.select %eq3A_234, %gather3A_209, %broadcast_in_dim3A_236 : vector<16xi1>, vector<16xf32>
        %add3A_238 = arith.addf %add3A_191, %select_n3A_237 : vector<16xf32>
        %eq3A_239 = arith.constant 1 : i32
        %eq3A_240 = vector.broadcast %eq3A_239 : i32 to vector<16xi32>
        %eq3A_241 = arith.cmpi eq, %select_n3A_224, %eq3A_240 : vector<16xi32>
        %jit3A_242 = arith.constant 0.000000e+00 : f32
        %broadcast_in_dim3A_243 = vector.broadcast %jit3A_242 : f32 to vector<16xf32>
        %select_n3A_244 = arith.select %eq3A_241, %gather3A_209, %broadcast_in_dim3A_243 : vector<16xi1>, vector<16xf32>
        %add3A_245 = arith.addf %add3A_198, %select_n3A_244 : vector<16xf32>
        %eq3A_246 = arith.constant 2 : i32
        %eq3A_247 = vector.broadcast %eq3A_246 : i32 to vector<16xi32>
        %eq3A_248 = arith.cmpi eq, %select_n3A_224, %eq3A_247 : vector<16xi32>
        %jit3A_249 = arith.constant 0.000000e+00 : f32
        %broadcast_in_dim3A_250 = vector.broadcast %jit3A_249 : f32 to vector<16xf32>
        %select_n3A_251 = arith.select %eq3A_248, %gather3A_209, %broadcast_in_dim3A_250 : vector<16xi1>, vector<16xf32>
        %add3A_252 = arith.addf %add3A_205, %select_n3A_251 : vector<16xf32>
        %broadcast_in_dim3A_253 = arith.constant 5 : i32
        %broadcast_in_dim3A_254 = vector.broadcast %broadcast_in_dim3A_253 : i32 to vector<16xi32>
        %gather3A_255 = tpu.vector_load_idx %arg8[%add3A_14, %broadcast_in_dim3A_254] : memref<400x10xi32, #tpu.memory_space<vmem>>[vector<16xi32>, vector<16xi32>], vector<16xi32>,
        %gather3A_256 = tpu.vector_load_idx %arg9[%add3A_14, %broadcast_in_dim3A_254] : memref<400x10xf32, #tpu.memory_space<vmem>>[vector<16xi32>, vector<16xi32>], vector<16xf32>,
        %sub3A_257 = arith.subi %gather3A_255, %add3A_16 : vector<16xi32>
        %gt3A_258 = arith.constant 2 : i32
        %gt3A_259 = vector.broadcast %gt3A_258 : i32 to vector<16xi32>
        %gt3A_260 = arith.cmpi sgt, %sub3A_257, %gt3A_259 : vector<16xi32>
        %sub3A_261 = arith.constant 10000 : i32
        %sub3A_262 = vector.broadcast %sub3A_261 : i32 to vector<16xi32>
        %sub3A_263 = arith.subi %sub3A_257, %sub3A_262 : vector<16xi32>
        %select_n3A_264 = arith.select %gt3A_260, %sub3A_263, %sub3A_257 : vector<16xi1>, vector<16xi32>
        %lt3A_265 = arith.constant -2 : i32
        %lt3A_266 = vector.broadcast %lt3A_265 : i32 to vector<16xi32>
        %lt3A_267 = arith.cmpi slt, %select_n3A_264, %lt3A_266 : vector<16xi32>
        %add3A_268 = arith.constant 10000 : i32
        %add3A_269 = vector.broadcast %add3A_268 : i32 to vector<16xi32>
        %add3A_270 = arith.addi %select_n3A_264, %add3A_269 : vector<16xi32>
        %select_n3A_271 = arith.select %lt3A_267, %add3A_270, %select_n3A_264 : vector<16xi1>, vector<16xi32>
        %eq3A_272 = arith.constant -2 : i32
        %eq3A_273 = vector.broadcast %eq3A_272 : i32 to vector<16xi32>
        %eq3A_274 = arith.cmpi eq, %select_n3A_271, %eq3A_273 : vector<16xi32>
        %jit3A_275 = arith.constant 0.000000e+00 : f32
        %broadcast_in_dim3A_276 = vector.broadcast %jit3A_275 : f32 to vector<16xf32>
        %select_n3A_277 = arith.select %eq3A_274, %gather3A_256, %broadcast_in_dim3A_276 : vector<16xi1>, vector<16xf32>
        %add3A_278 = arith.addf %add3A_231, %select_n3A_277 : vector<16xf32>
        %eq3A_279 = arith.constant -1 : i32
        %eq3A_280 = vector.broadcast %eq3A_279 : i32 to vector<16xi32>
        %eq3A_281 = arith.cmpi eq, %select_n3A_271, %eq3A_280 : vector<16xi32>
        %jit3A_282 = arith.constant 0.000000e+00 : f32
        %broadcast_in_dim3A_283 = vector.broadcast %jit3A_282 : f32 to vector<16xf32>
        %select_n3A_284 = arith.select %eq3A_281, %gather3A_256, %broadcast_in_dim3A_283 : vector<16xi1>, vector<16xf32>
        %add3A_285 = arith.addf %add3A_238, %select_n3A_284 : vector<16xf32>
        %eq3A_286 = arith.constant 1 : i32
        %eq3A_287 = vector.broadcast %eq3A_286 : i32 to vector<16xi32>
        %eq3A_288 = arith.cmpi eq, %select_n3A_271, %eq3A_287 : vector<16xi32>
        %jit3A_289 = arith.constant 0.000000e+00 : f32
        %broadcast_in_dim3A_290 = vector.broadcast %jit3A_289 : f32 to vector<16xf32>
        %select_n3A_291 = arith.select %eq3A_288, %gather3A_256, %broadcast_in_dim3A_290 : vector<16xi1>, vector<16xf32>
        %add3A_292 = arith.addf %add3A_245, %select_n3A_291 : vector<16xf32>
        %eq3A_293 = arith.constant 2 : i32
        %eq3A_294 = vector.broadcast %eq3A_293 : i32 to vector<16xi32>
        %eq3A_295 = arith.cmpi eq, %select_n3A_271, %eq3A_294 : vector<16xi32>
        %jit3A_296 = arith.constant 0.000000e+00 : f32
        %broadcast_in_dim3A_297 = vector.broadcast %jit3A_296 : f32 to vector<16xf32>
        %select_n3A_298 = arith.select %eq3A_295, %gather3A_256, %broadcast_in_dim3A_297 : vector<16xi1>, vector<16xf32>
        %add3A_299 = arith.addf %add3A_252, %select_n3A_298 : vector<16xf32>
        %broadcast_in_dim3A_300 = arith.constant 6 : i32
        %broadcast_in_dim3A_301 = vector.broadcast %broadcast_in_dim3A_300 : i32 to vector<16xi32>
        %gather3A_302 = tpu.vector_load_idx %arg8[%add3A_14, %broadcast_in_dim3A_301] : memref<400x10xi32, #tpu.memory_space<vmem>>[vector<16xi32>, vector<16xi32>], vector<16xi32>,
        %gather3A_303 = tpu.vector_load_idx %arg9[%add3A_14, %broadcast_in_dim3A_301] : memref<400x10xf32, #tpu.memory_space<vmem>>[vector<16xi32>, vector<16xi32>], vector<16xf32>,
        %sub3A_304 = arith.subi %gather3A_302, %add3A_16 : vector<16xi32>
        %gt3A_305 = arith.constant 2 : i32
        %gt3A_306 = vector.broadcast %gt3A_305 : i32 to vector<16xi32>
        %gt3A_307 = arith.cmpi sgt, %sub3A_304, %gt3A_306 : vector<16xi32>
        %sub3A_308 = arith.constant 10000 : i32
        %sub3A_309 = vector.broadcast %sub3A_308 : i32 to vector<16xi32>
        %sub3A_310 = arith.subi %sub3A_304, %sub3A_309 : vector<16xi32>
        %select_n3A_311 = arith.select %gt3A_307, %sub3A_310, %sub3A_304 : vector<16xi1>, vector<16xi32>
        %lt3A_312 = arith.constant -2 : i32
        %lt3A_313 = vector.broadcast %lt3A_312 : i32 to vector<16xi32>
        %lt3A_314 = arith.cmpi slt, %select_n3A_311, %lt3A_313 : vector<16xi32>
        %add3A_315 = arith.constant 10000 : i32
        %add3A_316 = vector.broadcast %add3A_315 : i32 to vector<16xi32>
        %add3A_317 = arith.addi %select_n3A_311, %add3A_316 : vector<16xi32>
        %select_n3A_318 = arith.select %lt3A_314, %add3A_317, %select_n3A_311 : vector<16xi1>, vector<16xi32>
        %eq3A_319 = arith.constant -2 : i32
        %eq3A_320 = vector.broadcast %eq3A_319 : i32 to vector<16xi32>
        %eq3A_321 = arith.cmpi eq, %select_n3A_318, %eq3A_320 : vector<16xi32>
        %jit3A_322 = arith.constant 0.000000e+00 : f32
        %broadcast_in_dim3A_323 = vector.broadcast %jit3A_322 : f32 to vector<16xf32>
        %select_n3A_324 = arith.select %eq3A_321, %gather3A_303, %broadcast_in_dim3A_323 : vector<16xi1>, vector<16xf32>
        %add3A_325 = arith.addf %add3A_278, %select_n3A_324 : vector<16xf32>
        %eq3A_326 = arith.constant -1 : i32
        %eq3A_327 = vector.broadcast %eq3A_326 : i32 to vector<16xi32>
        %eq3A_328 = arith.cmpi eq, %select_n3A_318, %eq3A_327 : vector<16xi32>
        %jit3A_329 = arith.constant 0.000000e+00 : f32
        %broadcast_in_dim3A_330 = vector.broadcast %jit3A_329 : f32 to vector<16xf32>
        %select_n3A_331 = arith.select %eq3A_328, %gather3A_303, %broadcast_in_dim3A_330 : vector<16xi1>, vector<16xf32>
        %add3A_332 = arith.addf %add3A_285, %select_n3A_331 : vector<16xf32>
        %eq3A_333 = arith.constant 1 : i32
        %eq3A_334 = vector.broadcast %eq3A_333 : i32 to vector<16xi32>
        %eq3A_335 = arith.cmpi eq, %select_n3A_318, %eq3A_334 : vector<16xi32>
        %jit3A_336 = arith.constant 0.000000e+00 : f32
        %broadcast_in_dim3A_337 = vector.broadcast %jit3A_336 : f32 to vector<16xf32>
        %select_n3A_338 = arith.select %eq3A_335, %gather3A_303, %broadcast_in_dim3A_337 : vector<16xi1>, vector<16xf32>
        %add3A_339 = arith.addf %add3A_292, %select_n3A_338 : vector<16xf32>
        %eq3A_340 = arith.constant 2 : i32
        %eq3A_341 = vector.broadcast %eq3A_340 : i32 to vector<16xi32>
        %eq3A_342 = arith.cmpi eq, %select_n3A_318, %eq3A_341 : vector<16xi32>
        %jit3A_343 = arith.constant 0.000000e+00 : f32
        %broadcast_in_dim3A_344 = vector.broadcast %jit3A_343 : f32 to vector<16xf32>
        %select_n3A_345 = arith.select %eq3A_342, %gather3A_303, %broadcast_in_dim3A_344 : vector<16xi1>, vector<16xf32>
        %add3A_346 = arith.addf %add3A_299, %select_n3A_345 : vector<16xf32>
        %broadcast_in_dim3A_347 = arith.constant 7 : i32
        %broadcast_in_dim3A_348 = vector.broadcast %broadcast_in_dim3A_347 : i32 to vector<16xi32>
        %gather3A_349 = tpu.vector_load_idx %arg8[%add3A_14, %broadcast_in_dim3A_348] : memref<400x10xi32, #tpu.memory_space<vmem>>[vector<16xi32>, vector<16xi32>], vector<16xi32>,
        %gather3A_350 = tpu.vector_load_idx %arg9[%add3A_14, %broadcast_in_dim3A_348] : memref<400x10xf32, #tpu.memory_space<vmem>>[vector<16xi32>, vector<16xi32>], vector<16xf32>,
        %sub3A_351 = arith.subi %gather3A_349, %add3A_16 : vector<16xi32>
        %gt3A_352 = arith.constant 2 : i32
        %gt3A_353 = vector.broadcast %gt3A_352 : i32 to vector<16xi32>
        %gt3A_354 = arith.cmpi sgt, %sub3A_351, %gt3A_353 : vector<16xi32>
        %sub3A_355 = arith.constant 10000 : i32
        %sub3A_356 = vector.broadcast %sub3A_355 : i32 to vector<16xi32>
        %sub3A_357 = arith.subi %sub3A_351, %sub3A_356 : vector<16xi32>
        %select_n3A_358 = arith.select %gt3A_354, %sub3A_357, %sub3A_351 : vector<16xi1>, vector<16xi32>
        %lt3A_359 = arith.constant -2 : i32
        %lt3A_360 = vector.broadcast %lt3A_359 : i32 to vector<16xi32>
        %lt3A_361 = arith.cmpi slt, %select_n3A_358, %lt3A_360 : vector<16xi32>
        %add3A_362 = arith.constant 10000 : i32
        %add3A_363 = vector.broadcast %add3A_362 : i32 to vector<16xi32>
        %add3A_364 = arith.addi %select_n3A_358, %add3A_363 : vector<16xi32>
        %select_n3A_365 = arith.select %lt3A_361, %add3A_364, %select_n3A_358 : vector<16xi1>, vector<16xi32>
        %eq3A_366 = arith.constant -2 : i32
        %eq3A_367 = vector.broadcast %eq3A_366 : i32 to vector<16xi32>
        %eq3A_368 = arith.cmpi eq, %select_n3A_365, %eq3A_367 : vector<16xi32>
        %jit3A_369 = arith.constant 0.000000e+00 : f32
        %broadcast_in_dim3A_370 = vector.broadcast %jit3A_369 : f32 to vector<16xf32>
        %select_n3A_371 = arith.select %eq3A_368, %gather3A_350, %broadcast_in_dim3A_370 : vector<16xi1>, vector<16xf32>
        %add3A_372 = arith.addf %add3A_325, %select_n3A_371 : vector<16xf32>
        %eq3A_373 = arith.constant -1 : i32
        %eq3A_374 = vector.broadcast %eq3A_373 : i32 to vector<16xi32>
        %eq3A_375 = arith.cmpi eq, %select_n3A_365, %eq3A_374 : vector<16xi32>
        %jit3A_376 = arith.constant 0.000000e+00 : f32
        %broadcast_in_dim3A_377 = vector.broadcast %jit3A_376 : f32 to vector<16xf32>
        %select_n3A_378 = arith.select %eq3A_375, %gather3A_350, %broadcast_in_dim3A_377 : vector<16xi1>, vector<16xf32>
        %add3A_379 = arith.addf %add3A_332, %select_n3A_378 : vector<16xf32>
        %eq3A_380 = arith.constant 1 : i32
        %eq3A_381 = vector.broadcast %eq3A_380 : i32 to vector<16xi32>
        %eq3A_382 = arith.cmpi eq, %select_n3A_365, %eq3A_381 : vector<16xi32>
        %jit3A_383 = arith.constant 0.000000e+00 : f32
        %broadcast_in_dim3A_384 = vector.broadcast %jit3A_383 : f32 to vector<16xf32>
        %select_n3A_385 = arith.select %eq3A_382, %gather3A_350, %broadcast_in_dim3A_384 : vector<16xi1>, vector<16xf32>
        %add3A_386 = arith.addf %add3A_339, %select_n3A_385 : vector<16xf32>
        %eq3A_387 = arith.constant 2 : i32
        %eq3A_388 = vector.broadcast %eq3A_387 : i32 to vector<16xi32>
        %eq3A_389 = arith.cmpi eq, %select_n3A_365, %eq3A_388 : vector<16xi32>
        %jit3A_390 = arith.constant 0.000000e+00 : f32
        %broadcast_in_dim3A_391 = vector.broadcast %jit3A_390 : f32 to vector<16xf32>
        %select_n3A_392 = arith.select %eq3A_389, %gather3A_350, %broadcast_in_dim3A_391 : vector<16xi1>, vector<16xf32>
        %add3A_393 = arith.addf %add3A_346, %select_n3A_392 : vector<16xf32>
        %broadcast_in_dim3A_394 = arith.constant 8 : i32
        %broadcast_in_dim3A_395 = vector.broadcast %broadcast_in_dim3A_394 : i32 to vector<16xi32>
        %gather3A_396 = tpu.vector_load_idx %arg8[%add3A_14, %broadcast_in_dim3A_395] : memref<400x10xi32, #tpu.memory_space<vmem>>[vector<16xi32>, vector<16xi32>], vector<16xi32>,
        %gather3A_397 = tpu.vector_load_idx %arg9[%add3A_14, %broadcast_in_dim3A_395] : memref<400x10xf32, #tpu.memory_space<vmem>>[vector<16xi32>, vector<16xi32>], vector<16xf32>,
        %sub3A_398 = arith.subi %gather3A_396, %add3A_16 : vector<16xi32>
        %gt3A_399 = arith.constant 2 : i32
        %gt3A_400 = vector.broadcast %gt3A_399 : i32 to vector<16xi32>
        %gt3A_401 = arith.cmpi sgt, %sub3A_398, %gt3A_400 : vector<16xi32>
        %sub3A_402 = arith.constant 10000 : i32
        %sub3A_403 = vector.broadcast %sub3A_402 : i32 to vector<16xi32>
        %sub3A_404 = arith.subi %sub3A_398, %sub3A_403 : vector<16xi32>
        %select_n3A_405 = arith.select %gt3A_401, %sub3A_404, %sub3A_398 : vector<16xi1>, vector<16xi32>
        %lt3A_406 = arith.constant -2 : i32
        %lt3A_407 = vector.broadcast %lt3A_406 : i32 to vector<16xi32>
        %lt3A_408 = arith.cmpi slt, %select_n3A_405, %lt3A_407 : vector<16xi32>
        %add3A_409 = arith.constant 10000 : i32
        %add3A_410 = vector.broadcast %add3A_409 : i32 to vector<16xi32>
        %add3A_411 = arith.addi %select_n3A_405, %add3A_410 : vector<16xi32>
        %select_n3A_412 = arith.select %lt3A_408, %add3A_411, %select_n3A_405 : vector<16xi1>, vector<16xi32>
        %eq3A_413 = arith.constant -2 : i32
        %eq3A_414 = vector.broadcast %eq3A_413 : i32 to vector<16xi32>
        %eq3A_415 = arith.cmpi eq, %select_n3A_412, %eq3A_414 : vector<16xi32>
        %jit3A_416 = arith.constant 0.000000e+00 : f32
        %broadcast_in_dim3A_417 = vector.broadcast %jit3A_416 : f32 to vector<16xf32>
        %select_n3A_418 = arith.select %eq3A_415, %gather3A_397, %broadcast_in_dim3A_417 : vector<16xi1>, vector<16xf32>
        %add3A_419 = arith.addf %add3A_372, %select_n3A_418 : vector<16xf32>
        %eq3A_420 = arith.constant -1 : i32
        %eq3A_421 = vector.broadcast %eq3A_420 : i32 to vector<16xi32>
        %eq3A_422 = arith.cmpi eq, %select_n3A_412, %eq3A_421 : vector<16xi32>
        %jit3A_423 = arith.constant 0.000000e+00 : f32
        %broadcast_in_dim3A_424 = vector.broadcast %jit3A_423 : f32 to vector<16xf32>
        %select_n3A_425 = arith.select %eq3A_422, %gather3A_397, %broadcast_in_dim3A_424 : vector<16xi1>, vector<16xf32>
        %add3A_426 = arith.addf %add3A_379, %select_n3A_425 : vector<16xf32>
        %eq3A_427 = arith.constant 1 : i32
        %eq3A_428 = vector.broadcast %eq3A_427 : i32 to vector<16xi32>
        %eq3A_429 = arith.cmpi eq, %select_n3A_412, %eq3A_428 : vector<16xi32>
        %jit3A_430 = arith.constant 0.000000e+00 : f32
        %broadcast_in_dim3A_431 = vector.broadcast %jit3A_430 : f32 to vector<16xf32>
        %select_n3A_432 = arith.select %eq3A_429, %gather3A_397, %broadcast_in_dim3A_431 : vector<16xi1>, vector<16xf32>
        %add3A_433 = arith.addf %add3A_386, %select_n3A_432 : vector<16xf32>
        %eq3A_434 = arith.constant 2 : i32
        %eq3A_435 = vector.broadcast %eq3A_434 : i32 to vector<16xi32>
        %eq3A_436 = arith.cmpi eq, %select_n3A_412, %eq3A_435 : vector<16xi32>
        %jit3A_437 = arith.constant 0.000000e+00 : f32
        %broadcast_in_dim3A_438 = vector.broadcast %jit3A_437 : f32 to vector<16xf32>
        %select_n3A_439 = arith.select %eq3A_436, %gather3A_397, %broadcast_in_dim3A_438 : vector<16xi1>, vector<16xf32>
        %add3A_440 = arith.addf %add3A_393, %select_n3A_439 : vector<16xf32>
        %broadcast_in_dim3A_441 = arith.constant 9 : i32
        %broadcast_in_dim3A_442 = vector.broadcast %broadcast_in_dim3A_441 : i32 to vector<16xi32>
        %gather3A_443 = tpu.vector_load_idx %arg8[%add3A_14, %broadcast_in_dim3A_442] : memref<400x10xi32, #tpu.memory_space<vmem>>[vector<16xi32>, vector<16xi32>], vector<16xi32>,
        %gather3A_444 = tpu.vector_load_idx %arg9[%add3A_14, %broadcast_in_dim3A_442] : memref<400x10xf32, #tpu.memory_space<vmem>>[vector<16xi32>, vector<16xi32>], vector<16xf32>,
        %sub3A_445 = arith.subi %gather3A_443, %add3A_16 : vector<16xi32>
        %gt3A_446 = arith.constant 2 : i32
        %gt3A_447 = vector.broadcast %gt3A_446 : i32 to vector<16xi32>
        %gt3A_448 = arith.cmpi sgt, %sub3A_445, %gt3A_447 : vector<16xi32>
        %sub3A_449 = arith.constant 10000 : i32
        %sub3A_450 = vector.broadcast %sub3A_449 : i32 to vector<16xi32>
        %sub3A_451 = arith.subi %sub3A_445, %sub3A_450 : vector<16xi32>
        %select_n3A_452 = arith.select %gt3A_448, %sub3A_451, %sub3A_445 : vector<16xi1>, vector<16xi32>
        %lt3A_453 = arith.constant -2 : i32
        %lt3A_454 = vector.broadcast %lt3A_453 : i32 to vector<16xi32>
        %lt3A_455 = arith.cmpi slt, %select_n3A_452, %lt3A_454 : vector<16xi32>
        %add3A_456 = arith.constant 10000 : i32
        %add3A_457 = vector.broadcast %add3A_456 : i32 to vector<16xi32>
        %add3A_458 = arith.addi %select_n3A_452, %add3A_457 : vector<16xi32>
        %select_n3A_459 = arith.select %lt3A_455, %add3A_458, %select_n3A_452 : vector<16xi1>, vector<16xi32>
        %eq3A_460 = arith.constant -2 : i32
        %eq3A_461 = vector.broadcast %eq3A_460 : i32 to vector<16xi32>
        %eq3A_462 = arith.cmpi eq, %select_n3A_459, %eq3A_461 : vector<16xi32>
        %jit3A_463 = arith.constant 0.000000e+00 : f32
        %broadcast_in_dim3A_464 = vector.broadcast %jit3A_463 : f32 to vector<16xf32>
        %select_n3A_465 = arith.select %eq3A_462, %gather3A_444, %broadcast_in_dim3A_464 : vector<16xi1>, vector<16xf32>
        %add3A_466 = arith.addf %add3A_419, %select_n3A_465 : vector<16xf32>
        %eq3A_467 = arith.constant -1 : i32
        %eq3A_468 = vector.broadcast %eq3A_467 : i32 to vector<16xi32>
        %eq3A_469 = arith.cmpi eq, %select_n3A_459, %eq3A_468 : vector<16xi32>
        %jit3A_470 = arith.constant 0.000000e+00 : f32
        %broadcast_in_dim3A_471 = vector.broadcast %jit3A_470 : f32 to vector<16xf32>
        %select_n3A_472 = arith.select %eq3A_469, %gather3A_444, %broadcast_in_dim3A_471 : vector<16xi1>, vector<16xf32>
        %add3A_473 = arith.addf %add3A_426, %select_n3A_472 : vector<16xf32>
        %eq3A_474 = arith.constant 1 : i32
        %eq3A_475 = vector.broadcast %eq3A_474 : i32 to vector<16xi32>
        %eq3A_476 = arith.cmpi eq, %select_n3A_459, %eq3A_475 : vector<16xi32>
        %jit3A_477 = arith.constant 0.000000e+00 : f32
        %broadcast_in_dim3A_478 = vector.broadcast %jit3A_477 : f32 to vector<16xf32>
        %select_n3A_479 = arith.select %eq3A_476, %gather3A_444, %broadcast_in_dim3A_478 : vector<16xi1>, vector<16xf32>
        %add3A_480 = arith.addf %add3A_433, %select_n3A_479 : vector<16xf32>
        %eq3A_481 = arith.constant 2 : i32
        %eq3A_482 = vector.broadcast %eq3A_481 : i32 to vector<16xi32>
        %eq3A_483 = arith.cmpi eq, %select_n3A_459, %eq3A_482 : vector<16xi32>
        %jit3A_484 = arith.constant 0.000000e+00 : f32
        %broadcast_in_dim3A_485 = vector.broadcast %jit3A_484 : f32 to vector<16xf32>
        %select_n3A_486 = arith.select %eq3A_483, %gather3A_444, %broadcast_in_dim3A_485 : vector<16xi1>, vector<16xf32>
        %add3A_487 = arith.addf %add3A_440, %select_n3A_486 : vector<16xf32>
        %swap3A = arith.index_cast %mul3A_12 : i32 to index
        %swap3A_488 = tpu.vector_load %arg10[%swap3A] {strides = array<i32>} : memref<400xf32, #tpu.memory_space<vmem>>, vector<16xf32>,
        tpu.vector_store %arg10[%swap3A], %add3A_466 {strides = array<i32>} : memref<400xf32, #tpu.memory_space<vmem>>, vector<16xf32>,
        %swap3A_489 = arith.index_cast %mul3A_12 : i32 to index
        %swap3A_490 = tpu.vector_load %arg11[%swap3A_489] {strides = array<i32>} : memref<400xf32, #tpu.memory_space<vmem>>, vector<16xf32>,
        tpu.vector_store %arg11[%swap3A_489], %add3A_473 {strides = array<i32>} : memref<400xf32, #tpu.memory_space<vmem>>, vector<16xf32>,
        %swap3A_491 = arith.index_cast %mul3A_12 : i32 to index
        %swap3A_492 = tpu.vector_load %arg12[%swap3A_491] {strides = array<i32>} : memref<400xf32, #tpu.memory_space<vmem>>, vector<16xf32>,
        tpu.vector_store %arg12[%swap3A_491], %add3A_480 {strides = array<i32>} : memref<400xf32, #tpu.memory_space<vmem>>, vector<16xf32>,
        %swap3A_493 = arith.index_cast %mul3A_12 : i32 to index
        %swap3A_494 = tpu.vector_load %arg13[%swap3A_493] {strides = array<i32>} : memref<400xf32, #tpu.memory_space<vmem>>, vector<16xf32>,
        tpu.vector_store %arg13[%swap3A_493], %add3A_487 {strides = array<i32>} : memref<400xf32, #tpu.memory_space<vmem>>, vector<16xf32>,
      }
      %scan3A_9 = arith.constant 25 : i32
      "tpu.region"() ({
        %run_scoped3A = tpu.sem_alloc : memref<!tpu.dma_semaphore, #tpu.memory_space<semaphore_mem>>
        %dma_start3A = tpu.memref_slice %arg4[%mul3A_4] : memref<10000xf32, #tpu.memory_space<hbm>> -> memref<400xf32, #tpu.memory_space<hbm>>
        %dma_start3A_10 = tpu.memref_slice %arg4[%mul3A_4] : memref<10000xf32, #tpu.memory_space<hbm>> -> memref<400xf32, #tpu.memory_space<hbm>>
        tpu.enqueue_dma source(%arg10 : memref<400xf32, #tpu.memory_space<vmem>>) target(%dma_start3A_10 : memref<400xf32, #tpu.memory_space<hbm>>) target_semaphore(%run_scoped3A : memref<!tpu.dma_semaphore, #tpu.memory_space<semaphore_mem>>)
        %dma_wait3A = tpu.memref_slice %arg4[%mul3A_4] : memref<10000xf32, #tpu.memory_space<hbm>> -> memref<400xf32, #tpu.memory_space<hbm>>
        %dma_wait3A_11 = tpu.memref_slice %arg4[%mul3A_4] : memref<10000xf32, #tpu.memory_space<hbm>> -> memref<400xf32, #tpu.memory_space<hbm>>
        tpu.wait_dma2 semaphore(%run_scoped3A : memref<!tpu.dma_semaphore, #tpu.memory_space<semaphore_mem>>) src(%arg10 : memref<400xf32, #tpu.memory_space<vmem>>) dst(%dma_wait3A_11 : memref<400xf32, #tpu.memory_space<hbm>>)
        tpu.yield
      }) : () -> ()
      "tpu.region"() ({
        %run_scoped3A = tpu.sem_alloc : memref<!tpu.dma_semaphore, #tpu.memory_space<semaphore_mem>>
        %dma_start3A = tpu.memref_slice %arg5[%mul3A_4] : memref<10000xf32, #tpu.memory_space<hbm>> -> memref<400xf32, #tpu.memory_space<hbm>>
        %dma_start3A_10 = tpu.memref_slice %arg5[%mul3A_4] : memref<10000xf32, #tpu.memory_space<hbm>> -> memref<400xf32, #tpu.memory_space<hbm>>
        tpu.enqueue_dma source(%arg11 : memref<400xf32, #tpu.memory_space<vmem>>) target(%dma_start3A_10 : memref<400xf32, #tpu.memory_space<hbm>>) target_semaphore(%run_scoped3A : memref<!tpu.dma_semaphore, #tpu.memory_space<semaphore_mem>>)
        %dma_wait3A = tpu.memref_slice %arg5[%mul3A_4] : memref<10000xf32, #tpu.memory_space<hbm>> -> memref<400xf32, #tpu.memory_space<hbm>>
        %dma_wait3A_11 = tpu.memref_slice %arg5[%mul3A_4] : memref<10000xf32, #tpu.memory_space<hbm>> -> memref<400xf32, #tpu.memory_space<hbm>>
        tpu.wait_dma2 semaphore(%run_scoped3A : memref<!tpu.dma_semaphore, #tpu.memory_space<semaphore_mem>>) src(%arg11 : memref<400xf32, #tpu.memory_space<vmem>>) dst(%dma_wait3A_11 : memref<400xf32, #tpu.memory_space<hbm>>)
        tpu.yield
      }) : () -> ()
      "tpu.region"() ({
        %run_scoped3A = tpu.sem_alloc : memref<!tpu.dma_semaphore, #tpu.memory_space<semaphore_mem>>
        %dma_start3A = tpu.memref_slice %arg6[%mul3A_4] : memref<10000xf32, #tpu.memory_space<hbm>> -> memref<400xf32, #tpu.memory_space<hbm>>
        %dma_start3A_10 = tpu.memref_slice %arg6[%mul3A_4] : memref<10000xf32, #tpu.memory_space<hbm>> -> memref<400xf32, #tpu.memory_space<hbm>>
        tpu.enqueue_dma source(%arg12 : memref<400xf32, #tpu.memory_space<vmem>>) target(%dma_start3A_10 : memref<400xf32, #tpu.memory_space<hbm>>) target_semaphore(%run_scoped3A : memref<!tpu.dma_semaphore, #tpu.memory_space<semaphore_mem>>)
        %dma_wait3A = tpu.memref_slice %arg6[%mul3A_4] : memref<10000xf32, #tpu.memory_space<hbm>> -> memref<400xf32, #tpu.memory_space<hbm>>
        %dma_wait3A_11 = tpu.memref_slice %arg6[%mul3A_4] : memref<10000xf32, #tpu.memory_space<hbm>> -> memref<400xf32, #tpu.memory_space<hbm>>
        tpu.wait_dma2 semaphore(%run_scoped3A : memref<!tpu.dma_semaphore, #tpu.memory_space<semaphore_mem>>) src(%arg12 : memref<400xf32, #tpu.memory_space<vmem>>) dst(%dma_wait3A_11 : memref<400xf32, #tpu.memory_space<hbm>>)
        tpu.yield
      }) : () -> ()
      "tpu.region"() ({
        %run_scoped3A = tpu.sem_alloc : memref<!tpu.dma_semaphore, #tpu.memory_space<semaphore_mem>>
        %dma_start3A = tpu.memref_slice %arg7[%mul3A_4] : memref<10000xf32, #tpu.memory_space<hbm>> -> memref<400xf32, #tpu.memory_space<hbm>>
        %dma_start3A_10 = tpu.memref_slice %arg7[%mul3A_4] : memref<10000xf32, #tpu.memory_space<hbm>> -> memref<400xf32, #tpu.memory_space<hbm>>
        tpu.enqueue_dma source(%arg13 : memref<400xf32, #tpu.memory_space<vmem>>) target(%dma_start3A_10 : memref<400xf32, #tpu.memory_space<hbm>>) target_semaphore(%run_scoped3A : memref<!tpu.dma_semaphore, #tpu.memory_space<semaphore_mem>>)
        %dma_wait3A = tpu.memref_slice %arg7[%mul3A_4] : memref<10000xf32, #tpu.memory_space<hbm>> -> memref<400xf32, #tpu.memory_space<hbm>>
        %dma_wait3A_11 = tpu.memref_slice %arg7[%mul3A_4] : memref<10000xf32, #tpu.memory_space<hbm>> -> memref<400xf32, #tpu.memory_space<hbm>>
        tpu.wait_dma2 semaphore(%run_scoped3A : memref<!tpu.dma_semaphore, #tpu.memory_space<semaphore_mem>>) src(%arg13 : memref<400xf32, #tpu.memory_space<vmem>>) dst(%dma_wait3A_11 : memref<400xf32, #tpu.memory_space<hbm>>)
        tpu.yield
      }) : () -> ()
    } else {
    }
    return
  }
}

module attributes {stable_mosaic.version = 14 : i64} {
  func.func @_loss_body(%arg0: i32, %arg1: memref<10000xf32, #tpu.memory_space<vmem>>, %arg2: memref<10000xf32, #tpu.memory_space<vmem>>, %arg3: memref<10000xf32, #tpu.memory_space<vmem>>, %arg4: memref<10000xf32, #tpu.memory_space<vmem>>, %arg5: memref<3x8x10000xf32, #tpu.memory_space<vmem>>, %arg6: memref<3x8x10000xf32, #tpu.memory_space<vmem>>, %arg7: memref<1x1xf32, #tpu.memory_space<smem>>) attributes {dimension_semantics = [#tpu.dimension_semantics<arbitrary>], iteration_bounds = array<i64: 8>, scalar_prefetch = 0 : i64, scratch_operands = 0 : i64, tpu.core_type = #tpu.core_type<tc>, window_params = [{pipeline_mode = #tpu.pipeline_mode<synchronous>, transform_indices = @transform_0, window_bounds = array<i64: 10000>}, {pipeline_mode = #tpu.pipeline_mode<synchronous>, transform_indices = @transform_1, window_bounds = array<i64: 10000>}, {pipeline_mode = #tpu.pipeline_mode<synchronous>, transform_indices = @transform_2, window_bounds = array<i64: 10000>}, {pipeline_mode = #tpu.pipeline_mode<synchronous>, transform_indices = @transform_3, window_bounds = array<i64: 10000>}, {transform_indices = @transform_4, window_bounds = array<i64: 3, 8, 10000>}, {transform_indices = @transform_5, window_bounds = array<i64: 3, 8, 10000>}, {transform_indices = @transform_6, window_bounds = array<i64: 1, 1>}]} {
    %eq3A = arith.constant 0 : i32
    %eq3A_0 = arith.cmpi eq, %arg0, %eq3A : i32
    %convert_element_type3A = arith.extui %eq3A_0 : i1 to i32
    %cond3A = arith.constant 0 : i32
    %cond3A_1 = arith.cmpi ne, %convert_element_type3A, %cond3A : i32
    scf.if %cond3A_1 {
      %swap3A_56 = arith.constant 0.000000e+00 : f32
      %swap3A_57 = arith.constant 0 : index
      %swap3A_58 = arith.constant 0 : index
      %swap3A_59 = memref.load %arg7[%swap3A_57, %swap3A_58] : memref<1x1xf32, #tpu.memory_space<smem>>
      memref.store %swap3A_56, %arg7[%swap3A_57, %swap3A_58] : memref<1x1xf32, #tpu.memory_space<smem>>
    } else {
    }
    %get3A = arith.constant 0 : index
    %get3A_2 = arith.constant 0 : index
    %get3A_3 = arith.constant 0 : index
    %get3A_4 = vector.load %arg5[%get3A, %get3A_2, %get3A_3] : memref<3x8x10000xf32, #tpu.memory_space<vmem>>, vector<3x8x10000xf32>
    %get3A_5 = arith.constant 0 : index
    %get3A_6 = arith.constant 0 : index
    %get3A_7 = arith.constant 0 : index
    %get3A_8 = vector.load %arg6[%get3A_5, %get3A_6, %get3A_7] : memref<3x8x10000xf32, #tpu.memory_space<vmem>>, vector<3x8x10000xf32>
    %sub3A = arith.subf %get3A_4, %get3A_8 : vector<3x8x10000xf32>
    %get3A_9 = arith.constant 0 : index
    %get3A_10 = vector.load %arg1[%get3A_9] : memref<10000xf32, #tpu.memory_space<vmem>>, vector<10000xf32>
    %broadcast_in_dim3A = vector.shape_cast %get3A_10 : vector<10000xf32> to vector<1x1x10000xf32>
    %slice3A = vector.extract_strided_slice %sub3A {offsets = [0, 0, 9998], sizes = [3, 8, 2], strides = [1, 1, 1]} : vector<3x8x10000xf32> to vector<3x8x2xf32>
    %slice3A_11 = vector.extract_strided_slice %sub3A {offsets = [0, 0, 0], sizes = [3, 8, 9998], strides = [1, 1, 1]} : vector<3x8x10000xf32> to vector<3x8x9998xf32>
    %concatenate3A = tpu.concatenate %slice3A, %slice3A_11 in 2 : vector<3x8x2xf32>, vector<3x8x9998xf32> -> vector<3x8x10000xf32>
    %mul3A = vector.broadcast %broadcast_in_dim3A : vector<1x1x10000xf32> to vector<3x8x10000xf32>
    %mul3A_12 = arith.mulf %mul3A, %concatenate3A : vector<3x8x10000xf32>
    %add3A = arith.addf %sub3A, %mul3A_12 : vector<3x8x10000xf32>
    %get3A_13 = arith.constant 0 : index
    %get3A_14 = vector.load %arg2[%get3A_13] : memref<10000xf32, #tpu.memory_space<vmem>>, vector<10000xf32>
    %broadcast_in_dim3A_15 = vector.shape_cast %get3A_14 : vector<10000xf32> to vector<1x1x10000xf32>
    %slice3A_16 = vector.extract_strided_slice %sub3A {offsets = [0, 0, 9999], sizes = [3, 8, 1], strides = [1, 1, 1]} : vector<3x8x10000xf32> to vector<3x8x1xf32>
    %slice3A_17 = vector.extract_strided_slice %sub3A {offsets = [0, 0, 0], sizes = [3, 8, 9999], strides = [1, 1, 1]} : vector<3x8x10000xf32> to vector<3x8x9999xf32>
    %concatenate3A_18 = tpu.concatenate %slice3A_16, %slice3A_17 in 2 : vector<3x8x1xf32>, vector<3x8x9999xf32> -> vector<3x8x10000xf32>
    %mul3A_19 = vector.broadcast %broadcast_in_dim3A_15 : vector<1x1x10000xf32> to vector<3x8x10000xf32>
    %mul3A_20 = arith.mulf %mul3A_19, %concatenate3A_18 : vector<3x8x10000xf32>
    %add3A_21 = arith.addf %add3A, %mul3A_20 : vector<3x8x10000xf32>
    %get3A_22 = arith.constant 0 : index
    %get3A_23 = vector.load %arg3[%get3A_22] : memref<10000xf32, #tpu.memory_space<vmem>>, vector<10000xf32>
    %broadcast_in_dim3A_24 = vector.shape_cast %get3A_23 : vector<10000xf32> to vector<1x1x10000xf32>
    %slice3A_25 = vector.extract_strided_slice %sub3A {offsets = [0, 0, 1], sizes = [3, 8, 9999], strides = [1, 1, 1]} : vector<3x8x10000xf32> to vector<3x8x9999xf32>
    %slice3A_26 = vector.extract_strided_slice %sub3A {offsets = [0, 0, 0], sizes = [3, 8, 1], strides = [1, 1, 1]} : vector<3x8x10000xf32> to vector<3x8x1xf32>
    %concatenate3A_27 = tpu.concatenate %slice3A_25, %slice3A_26 in 2 : vector<3x8x9999xf32>, vector<3x8x1xf32> -> vector<3x8x10000xf32>
    %mul3A_28 = vector.broadcast %broadcast_in_dim3A_24 : vector<1x1x10000xf32> to vector<3x8x10000xf32>
    %mul3A_29 = arith.mulf %mul3A_28, %concatenate3A_27 : vector<3x8x10000xf32>
    %add3A_30 = arith.addf %add3A_21, %mul3A_29 : vector<3x8x10000xf32>
    %get3A_31 = arith.constant 0 : index
    %get3A_32 = vector.load %arg4[%get3A_31] : memref<10000xf32, #tpu.memory_space<vmem>>, vector<10000xf32>
    %broadcast_in_dim3A_33 = vector.shape_cast %get3A_32 : vector<10000xf32> to vector<1x1x10000xf32>
    %slice3A_34 = vector.extract_strided_slice %sub3A {offsets = [0, 0, 2], sizes = [3, 8, 9998], strides = [1, 1, 1]} : vector<3x8x10000xf32> to vector<3x8x9998xf32>
    %slice3A_35 = vector.extract_strided_slice %sub3A {offsets = [0, 0, 0], sizes = [3, 8, 2], strides = [1, 1, 1]} : vector<3x8x10000xf32> to vector<3x8x2xf32>
    %concatenate3A_36 = tpu.concatenate %slice3A_34, %slice3A_35 in 2 : vector<3x8x9998xf32>, vector<3x8x2xf32> -> vector<3x8x10000xf32>
    %mul3A_37 = vector.broadcast %broadcast_in_dim3A_33 : vector<1x1x10000xf32> to vector<3x8x10000xf32>
    %mul3A_38 = arith.mulf %mul3A_37, %concatenate3A_36 : vector<3x8x10000xf32>
    %add3A_39 = arith.addf %add3A_30, %mul3A_38 : vector<3x8x10000xf32>
    %get3A_40 = arith.constant 0 : index
    %get3A_41 = arith.constant 0 : index
    %get3A_42 = memref.load %arg7[%get3A_40, %get3A_41] : memref<1x1xf32, #tpu.memory_space<smem>>
    %mul3A_43 = arith.mulf %add3A_39, %add3A_39 : vector<3x8x10000xf32>
    %reduce_sum3A = vector.shape_cast %mul3A_43 : vector<3x8x10000xf32> to vector<1x3x8x10000xf32>
    %reduce_sum3A_44 = arith.constant dense<0.000000e+00> : vector<1xf32>
    %reduce_sum3A_45 = vector.multi_reduction <add>, %reduce_sum3A, %reduce_sum3A_44 [1, 2, 3] : vector<1x3x8x10000xf32> to vector<1xf32>
    %reduce_sum3A_46 = vector.shape_cast %reduce_sum3A_45 : vector<1xf32> to vector<1x1x1x1xf32>
    %reduce_sum3A_47 = vector.extract %reduce_sum3A_46[0, 0, 0, 0] : f32 from vector<1x1x1x1xf32>
    %add3A_48 = arith.addf %get3A_42, %reduce_sum3A_47 : f32
    %swap3A = arith.constant 0 : index
    %swap3A_49 = arith.constant 0 : index
    %swap3A_50 = memref.load %arg7[%swap3A, %swap3A_49] : memref<1x1xf32, #tpu.memory_space<smem>>
    memref.store %add3A_48, %arg7[%swap3A, %swap3A_49] : memref<1x1xf32, #tpu.memory_space<smem>>
    %eq3A_51 = arith.constant 7 : i32
    %eq3A_52 = arith.cmpi eq, %arg0, %eq3A_51 : i32
    %convert_element_type3A_53 = arith.extui %eq3A_52 : i1 to i32
    %cond3A_54 = arith.constant 0 : i32
    %cond3A_55 = arith.cmpi ne, %convert_element_type3A_53, %cond3A_54 : i32
    scf.if %cond3A_55 {
      %get3A_56 = arith.constant 0 : index
      %get3A_57 = arith.constant 0 : index
      %get3A_58 = memref.load %arg7[%get3A_56, %get3A_57] : memref<1x1xf32, #tpu.memory_space<smem>>
      %div3A = arith.constant 1.920000e+06 : f32
      %div3A_59 = arith.divf %get3A_58, %div3A : f32
      %swap3A_60 = arith.constant 0 : index
      %swap3A_61 = arith.constant 0 : index
      %swap3A_62 = memref.load %arg7[%swap3A_60, %swap3A_61] : memref<1x1xf32, #tpu.memory_space<smem>>
      memref.store %div3A_59, %arg7[%swap3A_60, %swap3A_61] : memref<1x1xf32, #tpu.memory_space<smem>>
    } else {
    }
    return
  }
  func.func @transform_0(%arg0: i32) -> i32 {
    %c0_i32 = arith.constant 0 : i32
    %c0_i32_0 = arith.constant 0 : i32
    return %c0_i32 : i32
  }
  func.func @transform_1(%arg0: i32) -> i32 {
    %c0_i32 = arith.constant 0 : i32
    %c0_i32_0 = arith.constant 0 : i32
    return %c0_i32 : i32
  }
  func.func @transform_2(%arg0: i32) -> i32 {
    %c0_i32 = arith.constant 0 : i32
    %c0_i32_0 = arith.constant 0 : i32
    return %c0_i32 : i32
  }
  func.func @transform_3(%arg0: i32) -> i32 {
    %c0_i32 = arith.constant 0 : i32
    %c0_i32_0 = arith.constant 0 : i32
    return %c0_i32 : i32
  }
  func.func @transform_4(%arg0: i32) -> (i32, i32, i32) {
    %c0_i32 = arith.constant 0 : i32
    %c0_i32_0 = arith.constant 0 : i32
    %c0_i32_1 = arith.constant 0 : i32
    return %c0_i32, %arg0, %c0_i32_0 : i32, i32, i32
  }
  func.func @transform_5(%arg0: i32) -> (i32, i32, i32) {
    %c0_i32 = arith.constant 0 : i32
    %c0_i32_0 = arith.constant 0 : i32
    %c0_i32_1 = arith.constant 0 : i32
    return %c0_i32, %arg0, %c0_i32_0 : i32, i32, i32
  }
  func.func @transform_6(%arg0: i32) -> (i32, i32) {
    %c0_i32 = arith.constant 0 : i32
    %c0_i32_0 = arith.constant 0 : i32
    %c0_i32_1 = arith.constant 0 : i32
    return %c0_i32, %c0_i32_0 : i32, i32
  }
}

</mosaic_0001>

<sc_bundles>
// kernel: kernel.4.cloned.1.call-start
scs
__scs_entry_jumppad:
0x0: {  	(pc) =	sbr.rel $0x88, $3  }
0x1: {  	(tag) =	ssettag $0x0;
	lr =	simm.s32 $0x1  }
0x2: {  	[smem:$0x3F9D] =	sst lr;
	_ =	strace $0xD0000000  }
0x3: {  	_ = 	snop  }
0x4: {  	_ = 	snop  }
0x5: {  	_ = 	snop  }
0x6: {  	_ = 	snop  }
0x7: {  	_ = 	snop  }
__scs_overlays_trampoline_lowered:
0x8: {  	[smem:$0x3FAC] =	sst s0  }
0x9: {  	[smem:$0x3FAD] =	sst s1  }
0xa: {  	[smem:$0x3FAE] =	sst s2  }
0xb: {  	[smem:$0x3FAF] =	sst s3  }
0xc: {  	[smem:$0x3FB0] =	sst s4  }
0xd: {  	[smem:$0x3FB1] =	sst s5  }
0xe: {  	[smem:$0x3FB2] =	sst s6  }
0xf: {  	[smem:$0x3FB3] =	sst s7  }
0x10: {  	[smem:$0x3FB4] =	sst s8  }
0x11: {  	[smem:$0x3FB5] =	sst s9;
	s0 =	simm.s32 @!p0 $0x0  }
0x12: {  	s1 =	sld [smem:$0x3F9B];
	s0 =	simm.s32 @p0 $0x1  }
0x13: {  	[smem:$0x3FB6] =	sst s0;
	s0 =	simm.s32 @!p1 $0x0  }
0x14: {  	s2 =	sld [smem:$0x3F9A];
	s0 =	simm.s32 @p1 $0x1  }
0x15: {  	[smem:$0x3FB7] =	sst s0;
	s0 =	simm.s32 @!p2 $0x0  }
0x16: {  	s3 =	sld [smem:$0x3FDB];
	s0 =	simm.s32 @p2 $0x1  }
0x17: {  	s4 =	simm.s32 $0x1BF5;
	[smem:$0x3FB9] =	sst s0  }
0x18: {  	s0 =	sld [smem:$0x3F9C];
	_ =	swait.ge [sflag:s4], $0x0  }
0x19: {  	s7 =	sld [smem:$0x3F9D]  }
0x1a: {  	s8 =	sadd.s32 $0xFFFFE003, lr  }
0x1b: {  	s9 =	sadd.s32 $0xFFFFFEF7, lr;
	s5 =	simm.s32 $0xFFFFFFFF;
	p2 =	slt.u32 s8, $0xFFFFF086  }
0x1c: {  	p1 =	slt.u32 s9, $0xF7A;
	s5 =	simm.s32 @!p2 $0x0  }
0x1d: {  	s5 =	simm.s32 @p1 $0x1;
	p0 =	seq.s32 s7, s2  }
0x1e: {  	s7 =	smul.u32 @!p0 $0xF7A, s2;
	p2 =	seq.s32 @!p0 s5, $0x0  }
0x1f: {  	s9 =	smul.u32 $0xF7A, s1;
	s8 =	simm.s32 @!p0 $0x1BF5;
	p2 =	por !p2, p0  }
0x20: {  	[sflag:s8] =	ssyncset.s32 @!p0 $0xFFFFF086;
	s6 =	sadd.s32 @!p0 s3, s7;
	s7 =	simm.s32 @!p0 $0x108  }
0x21: {  	s3 =	sadd.s32 s3, s9;
	s6 =	sadd.s32 @!p0 $0x88, s6;
	s7 =	simm.s32 @p2 $0x1082  }
0x22: {  	[simem:s7], [sflag:s8] =	dma.local @!p0 [hbm:s6], $0xF7A  }
0x23: {  	s9 =	sor.u32 $0xD0000000, s2;
	s6 =	simm.s32 $0x108;
	_ =	swait.ge @!p0 [sflag:s8], $0x0  }
0x24: {  	s3 =	sadd.s32 $0x88, s3;
	s6 =	simm.s32 @!p1 $0x1082;
	[sflag:s4] =	ssyncset.s32 $0xFFFFF086  }
0x25: {  	[simem:s6], [sflag:s4] =	dma.local [hbm:s3], $0xF7A  }
0x26: {  	[smem:$0x3F9D] =	sst s1;
	(tag) =	ssettag s2;
	_ =	strace s9  }
0x27: {  	s1 =	sld [smem:$0x3FAD]  }
0x28: {  	s2 =	sld [smem:$0x3FAE]  }
0x29: {  	s4 =	sld [smem:$0x3FB0]  }
0x2a: {  	p0 =	seq.s32 s5, $0x0;
	s5 =	sld [smem:$0x3FB1]  }
0x2b: {  	s6 =	sld [smem:$0x3FB2]  }
0x2c: {  	s7 =	sld [smem:$0x3FB3]  }
0x2d: {  	s3 =	simm.s32 $0x108;
	s8 =	sld [smem:$0x3FB4]  }
0x2e: {  	s3 =	simm.s32 @!p0 $0x1082;
	s9 =	sld [smem:$0x3FB5]  }
0x2f: {  	lr =	sadd.s32 s0, s3;
	s0 =	sld [smem:$0x3FAC]  }
0x30: {  	s3 =	sld [smem:$0x3FAF]  }
0x31: {  	[smem:$0x3FB8] =	sst s10  }
0x32: {  	s10 =	sld [smem:$0x3FB6];
	_ =	sdelay $0x3  }
0x33: {  	p0 =	seq.s32 s10, $0x1;
	s10 =	sld [smem:$0x3FB8];
	_ =	sdelay $0x3  }
0x34: {  	[smem:$0x3FB8] =	sst s10  }
0x35: {  	s10 =	sld [smem:$0x3FB7];
	_ =	sdelay $0x3  }
0x36: {  	p1 =	seq.s32 s10, $0x1;
	s10 =	sld [smem:$0x3FB8];
	_ =	sdelay $0x3  }
0x37: {  	[smem:$0x3FB8] =	sst s10  }
0x38: {  	s10 =	sld [smem:$0x3FB9]  }
0x39: {  	_ = 	snop;
	(pc) =	sbr.ind lr, $3  }
0x3a: {  	_ = 	snop  }
0x3b: {  	_ = 	snop  }
0x3c: {  	p2 =	seq.s32 s10, $0x1;
	s10 =	sld [smem:$0x3FB8]  }
0x3d: {  	_ =	shalt  }
0x3e: {  	_ =	shalt  }
0x3f: {  	_ =	shalt  }
0x40: {  	_ =	shalt  }
0x41: {  	_ =	shalt  }
0x42: {  	_ =	shalt  }
0x43: {  	_ =	shalt  }
0x44: {  	_ =	shalt  }
0x45: {  	_ =	shalt  }
0x46: {  	_ =	shalt  }
0x47: {  	_ =	shalt  }
0x48: {  	_ =	shalt  }
0x49: {  	_ =	shalt  }
0x4a: {  	_ =	shalt  }
0x4b: {  	_ =	shalt  }
0x4c: {  	_ =	shalt  }
0x4d: {  	_ =	shalt  }
0x4e: {  	_ =	shalt  }
0x4f: {  	_ =	shalt  }
0x50: {  	_ =	shalt  }
0x51: {  	_ =	shalt  }
0x52: {  	_ =	shalt  }
0x53: {  	_ =	shalt  }
0x54: {  	_ =	shalt  }
0x55: {  	_ =	shalt  }
0x56: {  	_ =	shalt  }
0x57: {  	_ =	shalt  }
0x58: {  	_ =	shalt  }
0x59: {  	_ =	shalt  }
0x5a: {  	_ =	shalt  }
0x5b: {  	_ =	shalt  }
0x5c: {  	_ =	shalt  }
0x5d: {  	_ =	shalt  }
0x5e: {  	_ =	shalt  }
0x5f: {  	_ =	shalt  }
0x60: {  	_ =	shalt  }
0x61: {  	_ =	shalt  }
0x62: {  	_ =	shalt  }
0x63: {  	_ =	shalt  }
0x64: {  	_ =	shalt  }
0x65: {  	_ =	shalt  }
0x66: {  	_ =	shalt  }
0x67: {  	_ =	shalt  }
0x68: {  	_ =	shalt  }
0x69: {  	_ =	shalt  }
0x6a: {  	_ =	shalt  }
0x6b: {  	_ =	shalt  }
0x6c: {  	_ =	shalt  }
0x6d: {  	_ =	shalt  }
0x6e: {  	_ =	shalt  }
0x6f: {  	_ =	shalt  }
0x70: {  	_ =	shalt  }
0x71: {  	_ =	shalt  }
0x72: {  	_ =	shalt  }
0x73: {  	_ =	shalt  }
0x74: {  	_ =	shalt  }
0x75: {  	_ =	shalt  }
0x76: {  	_ =	shalt  }
0x77: {  	_ =	shalt  }
0x78: {  	_ =	shalt  }
0x79: {  	_ =	shalt  }
0x7a: {  	_ =	shalt  }
0x7b: {  	_ =	shalt  }
0x7c: {  	_ =	shalt  }
0x7d: {  	_ =	shalt  }
0x7e: {  	_ =	shalt  }
0x7f: {  	_ =	shalt  }
0x80: {  	_ =	shalt  }
0x81: {  	_ =	shalt  }
0x82: {  	_ =	shalt  }
0x83: {  	_ =	shalt  }
0x84: {  	_ =	shalt  }
0x85: {  	_ =	shalt  }
0x86: {  	_ =	shalt  }
0x87: {  	_ =	shalt  }
.Lfunc_end0:
.L_simem_size_0:
called_computation_lowered:
.L_overlay_start_0:
0x88: {  	s2 =	sld [smem:$0x3FD9]  }
0x89: {  	s3 =	sld [smem:$0x3FFE];
	_ =	sdelay $0x1  }
0x8a: {  	s1 =	srdreg.scid  }
0x8b: {  	s0 =	sand.u32 $0x1, s1  }
0x8c: {  	s16 =	sshll.u32 s0, $0xA;
	s2 =	sadd.s32 s3, s2  }
0x8d: {  	s2 =	sadd.s32 s2, s16  }
0x8e: {  	[smem:$0x3FC4] =	sst s2  }
0x8f: {  	_ = 	snop  }
0x90: {  	(tm) =	ssettm $0x1  }
0x91: {  	s17 =	sld [smem:$0x3FFB];
	_ =	sdelay $0x3  }
0x92: {  	_ =	strace s17  }
0x93: {  	s2 =	sld [smem:$0x3FFC];
	_ =	sdelay $0x3  }
0x94: {  	_ =	strace s2  }
0x95: {  	s2 =	sld [smem:$0x3FFD];
	_ =	sdelay $0x3  }
0x96: {  	_ =	strace s2  }
0x97: {  	_ =	strace $0x8FFFFFFF  }
0x98: {  	s18 =	sld [smem:$0x3FDB];
	_ =	sdelay $0x1  }
0x99: {  	s19 =	simm.s32 $_scs_section_size  }
0x9a: {  	s4 =	simm.s32 $_size__tile_overlayer_lowered;
	s5 =	simm.s32 $_tile_overlayer_lowered  }
0x9b: {  	s22 =	simm.s32 $0x1BFF;
	s21 =	sshll.u32 s5, $0x1;
	s2 =	sadd.s32 s19, s18  }
0x9c: {  	s6 =	simm.s32 $0x0;
	s20 =	sshll.u32 s4, $0x1;
	s4 =	sadd.s32 s21, s2  }
0x9d: {  	[timem:s6], [sflag:s22] =	dma.local [hbm:s4], s20  }
0x9e: {  	_ =	swait.ge [sflag:s22], s20  }
0x9f: {  	s3 =	ssub.s32 $0x0, s20;
	[sflag:s22] =	ssyncset.done $0x0  }
0xa0: {  	[sflag:s22] =	ssyncadd.s32 s3;
	_ =	sdelay $0x1  }
0xa1: {  	s23 =	simm.s32 $0x1B8B  }
0xa2: {  	_ =	swait.ge [sflag:s23], $0x1  }
0xa3: {  	[sflag:s23] =	ssyncset.done $0x0  }
0xa4: {  	s25 =	simm.s32 $0x1B8E;
	s24 =	sld [smem:$0x3FFE];
	[sflag:s23] =	ssyncadd.s32 $0xFFFFFFFF  }
0xa5: {  	s26 =	simm.s32 $execute0_lowered;
	[smem:$0x3FD2] =	sst s25  }
0xa6: {  	s4 =	sshll.u32 s26, $0x1;
	_ =	strace $0x80000046;
	[dreg:$0x1] =	wrdreg $0xFFFFFFFF  }
0xa7: {  	s28 =	simm.s32 $_size_execute0_lowered;
	s2 =	sadd.s32 s2, s4;
	[dreg:$0x0] =	wrdreg $0x0  }
0xa8: {  	s4 =	sshll.u32 s28, $0x1;
	[dreg:$0x2] =	wrdreg s2  }
0xa9: {  	[dreg:$0x3] =	wrdreg s4  }
0xaa: {  	[dreg:$0x4] =	wrdreg $0xC0  }
0xab: {  	_ =	task [dreg:s6], $0x5FFFF  }
0xac: {  	[dreg:$0x1] =	wrdreg $0xFFFFFFFF  }
0xad: {  	[dreg:$0x0] =	wrdreg $0x60  }
0xae: {  	[dreg:$0x2] =	wrdreg s24  }
0xaf: {  	[dreg:$0x3] =	wrdreg $0x9  }
0xb0: {  	_ =	task.clear_ibuf [dreg:s6], $0x4FFFF;
	_ =	strace $0x90000046  }
0xb1: {  	s29 =	simm.s32 $0x9;
	_ =	strace $0x80000048  }
0xb2: {  	_ =	swait.ge [sflag:s29], $0x1  }
0xb3: {  	[sflag:s29] =	ssyncadd.s32 $0xFFFFFFFF  }
0xb4: {  	_ =	strace $0x90000048  }
0xb5: {  	_ =	sfence  }
0xb6: {  	s30 =	sld [smem:$0x0];
	_ =	sdelay $0x2  }
0xb7: {  	s31 =	sshll.u32 s1, $0xD;
	s1 =	sshrl.u32 s1, $0x2  }
0xb8: {  	s3 =	sand.u32 $0x4000, s31;
	s1 =	sadd.s32 s1, s30  }
0xb9: {  	s0 =	sor.u32 s3, s0;
	s1 =	sshll.u32 s1, $0x11  }
0xba: {  	s0 =	sor.u32 s1, s0  }
0xbb: {  	s0 =	sadd.s32 $0x8F2B, s0  }
0xbc: {  	[sflag:s0] =	ssyncadd.remote.s32 $0x1  }
0xbd: {  	_ =	sfence.sel $0xFFFF  }
0xbe: {  	[dreg:$0x0] =	wrdreg $0xFFFFFFFF;
	(pc) =	sbr.abs _section_cstart, $3  }
0xbf: {  	[dreg:$0x1] =	wrdreg $0xFFFFFFFF  }
0xc0: {  	_ =	task.clear_ibuf [dreg:s6], $0x2FFFF;
	_ =	strace $0x9FFFFFFF  }
0xc1: {  	(tm) =	ssettm $0x7FFFFFFF  }
tec
execute0_lowered:
.L_overlay_start_1:
0x0: {  	(tag) =	ssettag $0x1  }
0x1: {  	s1 =	srdreg.scid;
	s0 =	stileid.u32  }
0x2: {  	s4 =	sand.u32 $0x1, s1;
	s5 =	sshll.u32 s0, $0x1  }
0x3: {  	s5 =	sor.u32 s4, s5  }
0x4: {  	p0 =	sgt.u32 s5, $0x18  }
.Ltmp0:
0x5: {  	_ = 	snop;
	(pc) =	sbr.rel @p0 .LBB2_5-.Ltmp0, $4  }
0x6: {  	_ = 	snop  }
0x7: {  	s3 =	rddreg [dreg:$0x0];
	s2 =	simm.s32 $0x0  }
0x8: {  	[smem:$0x7FF] =	sst s2  }
0x9: {  	s1 =	rddreg [dreg:$0x1];
	_ =	strace $0x80000047  }
0xa: {  	s8 =	smul.u32 $0x1900, s5  }
0xb: {  	s14 =	smul.u32 $0x190, s5  }
0xc: {  	s9 =	sadd.s32 $0x2000, s3;
	s10 =	ssub.s32 $0x2, s4;
	s12 =	simm.s32 $0x19000  }
0xd: {  	s13 =	simm.s32 $0x19200;
	s15 =	simm.s32 $0x19600;
	s16 =	simm.s32 $0x0  }
0xe: {  	s11 =	sshrl.u32 s10, $0x1;
	s31 =	sadd.s32 s8, s3;
	s6 =	sshrl.u32 s14, $0x3  }
0xf: {  	s10 =	ssub.s32 s10, s11;
	s8 =	sadd.s32 s9, s8;
	s11 =	simm.s32 $0xC800  }
0x10: {  	v0 =	vmov s14;
	s14 =	simm.s32 $0x19400;
	s7 =	sadd.s32 s6, s3;
	s3 =	sadd.s32 $0x29200, s31  }
0x11: {  	s9 =	smax.u32 s10, $0x1;
	s10 =	simm.s32 $0x1;
	s4 =	sadd.s32 $0x50400, s7  }
0x12: {  	v1 =	vlaneseq.u32;
	s5 =	sadd.s32 $0x50A00, s7;
	s6 =	sadd.s32 $0x51000, s7;
	s7 =	sadd.s32 $0x51600, s7  }
.LBB2_2:
0x13: {  	s17 =	simm.s32 $0x0  }
0x14: {  	[tilespmem:s17], [sflag:$0x1] =	stream.linear.gather [hbm4b:s8+s17], $0xC800, $0x38;
	[tilespmem:$0x19800] =	vst v63  }
0x15: {  	_ =	swait.ge [sflag:s10], $0xC800  }
0x16: {  	v2 =	vor.u32 s17, v1;
	[sflag:s10] =	ssyncset.done $0x0  }
0x17: {  	v7 =	vshll.u32 v2, $0x7;
	[sflag:s10] =	ssyncadd.s32 $0xFFFF3800  }
0x18: {  	v8 =	vor.u32 $0x1, v7;
	[tilespmem:s11], [sflag:$0x1] =	stream.linear.gather [hbm4b:s3+s17], $0xC800, $0x38;
	[tilespmem:$0x19800] =	vst v63  }
0x19: {  	_ =	swait.ge [sflag:s10], $0xC800  }
0x1a: {  	[sflag:s10] =	ssyncset.done $0x0  }
0x1b: {  	v10 =	vor.u32 $0x6, v7;
	[sflag:s10] =	ssyncadd.s32 $0xFFFF3800  }
0x1c: {  	v9 =	vld.idx.msk [tilespmem:v7+s2+$0x0], $0xffff  }
0x1d: {  	v3 =	vadd.s32 v0, v2;
	v11 =	vor.u32 $0x2, v7;
	v12 =	vld.idx.msk [tilespmem:v8+s2+$0x0], $0xffff  }
0x1e: {  	v16 =	vor.u32 $0x4, v7;
	v6 =	vor.u32 $0x5, v7;
	v5 =	vor.u32 $0x7, v7  }
0x1f: {  	v15 =	vor.u32 $0x3, v7;
	v4 =	vor.u32 $0x8, v7;
	v2 =	vor.u32 $0x9, v7;
	v7 =	vld.idx.msk [tilespmem:v7+s11+$0x0], $0xffff  }
0x20: {  	v13 =	vld.idx.msk [tilespmem:v10+s2+$0x0], $0xffff  }
0x21: {  	v9 =	vsub.s32 v9, v3  }
0x22: {  	v14 =	vld.idx.msk [tilespmem:v11+s2+$0x0], $0xffff;
	v12 =	vsub.s32 v12, v3;
	vm0 =	vgt.s32 v9, $0x2;
	v17 =	vadd.s32 $0xFFFFD8F0, v9  }
0x23: {  	v18 =	vld.idx.msk [tilespmem:v8+s11+$0x0], $0xffff;
	v8 =	vsel vm0, v17, v9;
	vm0 =	vgt.s32 v12, $0x2;
	v9 =	vadd.s32 $0xFFFFD8F0, v12  }
0x24: {  	v24 =	vadd.f32 $0.0e+00, v7;
	vm1 =	vlt.s32 v8, $0xFFFFFFFE;
	v9 =	vsel vm0, v9, v12  }
0x25: {  	v12 =	vsub.s32 v13, v3;
	v19 =	vadd.s32 $0x2710, v8;
	vm0 =	vlt.s32 v9, $0xFFFFFFFE  }
0x26: {  	v17 =	vadd.s32 $0x2710, v9;
	vm2 =	vgt.s32 v12, $0x2;
	v19 =	vsel vm1, v19, v8  }
0x27: {  	v8 =	vsub.s32 v14, v3;
	v9 =	vsel vm0, v17, v9;
	v17 =	vadd.s32 $0xFFFFD8F0, v12  }
0x28: {  	v13 =	vld.idx.msk [tilespmem:v15+s2+$0x0], $0xffff;
	vm3 =	veq.s32 v19, $0x1;
	vm4 =	veq.s32 v19, $0x2;
	vm6 =	veq.s32 v19, $0xFFFFFFFE  }
0x29: {  	vm7 =	veq.s32 v19, $0xFFFFFFFF;
	vm0 =	veq.s32 v9, $0xFFFFFFFE;
	vm1 =	veq.s32 v9, $0xFFFFFFFF  }
0x2a: {  	v17 =	vsel vm2, v17, v12;
	v12 =	vadd.s32 $0xFFFFD8F0, v8;
	vm2 =	veq.s32 v9, $0x2  }
0x2b: {  	v23 =	vld.idx.msk [tilespmem:v11+s11+$0x0], $0xffff;
	v25 =	vnsel vm3, $0x0, v24;
	v20 =	vnsel vm0, $0x0, v18;
	v21 =	vnsel vm1, $0x0, v18  }
0x2c: {  	v11 =	vld.idx.msk [tilespmem:v16+s2+$0x0], $0xffff;
	vm0 =	vgt.s32 v8, $0x2;
	v22 =	vadd.s32 $0x2710, v17;
	vm1 =	veq.s32 v9, $0x1  }
0x2d: {  	v9 =	vnsel vm2, $0x0, v18;
	v13 =	vsub.s32 v13, v3;
	v8 =	vsel vm0, v12, v8  }
0x2e: {  	v28 =	vnsel vm1, $0x0, v18;
	v18 =	vnsel vm7, $0x0, v24;
	vm0 =	vgt.s32 v13, $0x2  }
0x2f: {  	v7 =	vadd.s32 $0xFFFFD8F0, v13;
	v12 =	vadd.s32 $0x2710, v8;
	vm2 =	vlt.s32 v8, $0xFFFFFFFE  }
0x30: {  	v18 =	vadd.f32 v21, v18;
	v7 =	vsel vm0, v7, v13;
	v12 =	vsel vm2, v12, v8;
	v8 =	vld.idx.msk [tilespmem:v10+s11+$0x0], $0xffff  }
0x31: {  	vm0 =	vlt.s32 v17, $0xFFFFFFFE;
	v10 =	vsub.s32 v11, v3;
	v13 =	vld.idx.msk [tilespmem:v15+s11+$0x0], $0xffff;
	v15 =	vnsel vm4, $0x0, v24  }
0x32: {  	vm2 =	vlt.s32 v7, $0xFFFFFFFE;
	vm3 =	veq.s32 v12, $0xFFFFFFFE;
	vm5 =	veq.s32 v12, $0xFFFFFFFF  }
0x33: {  	v26 =	vadd.s32 $0x2710, v7;
	vm15 =	veq.s32 v12, $0x2;
	v11 =	vsel vm0, v22, v17;
	v22 =	vld.idx.msk [tilespmem:v6+s2+$0x0], $0xffff  }
0x34: {  	v17 =	vld.idx.msk [tilespmem:v16+s11+$0x0], $0xffff;
	v16 =	vnsel vm6, $0x0, v24;
	v27 =	vnsel vm3, $0x0, v23;
	v14 =	vnsel vm5, $0x0, v23  }
0x35: {  	vm3 =	veq.s32 v12, $0x1;
	v12 =	vnsel vm15, $0x0, v23;
	v19 =	vsel vm2, v26, v7  }
0x36: {  	vm1 =	veq.s32 v11, $0x1;
	vm2 =	veq.s32 v11, $0xFFFFFFFE;
	v26 =	vnsel vm3, $0x0, v23  }
0x37: {  	v23 =	vadd.s32 $0xFFFFD8F0, v10;
	v7 =	vnsel vm1, $0x0, v8;
	vm1 =	vgt.s32 v10, $0x2  }
0x38: {  	vm0 =	veq.s32 v19, $0xFFFFFFFE;
	v21 =	vsel vm1, v23, v10;
	v10 =	vnsel vm2, $0x0, v8  }
0x39: {  	v23 =	vadd.f32 v20, v16;
	vm1 =	veq.s32 v19, $0x2;
	v20 =	vsub.s32 v22, v3  }
0x3a: {  	v22 =	vadd.f32 v28, v25;
	vm2 =	vlt.s32 v21, $0xFFFFFFFE;
	v24 =	vadd.s32 $0x2710, v21  }
0x3b: {  	s21 =	simm.s32 $0x10;
	s22 =	simm.s32 $0x19610;
	s23 =	simm.s32 $0x19000;
	v16 =	vnsel vm1, $0x0, v13;
	vm1 =	veq.s32 v19, $0xFFFFFFFF;
	v25 =	vsel vm2, v24, v21  }
0x3c: {  	s24 =	simm.s32 $0x19200;
	s25 =	simm.s32 $0x19400;
	s18 =	simm.s32 $0x19200;
	v23 =	vadd.f32 v27, v23;
	vm2 =	veq.s32 v25, $0xFFFFFFFE;
	vm3 =	veq.s32 v25, $0xFFFFFFFF  }
0x3d: {  	s19 =	simm.s32 $0x19400;
	s20 =	simm.s32 $0x19600;
	s17 =	simm.s32 $0x19000;
	v21 =	vadd.f32 v26, v22;
	v24 =	vnsel vm2, $0x0, v17;
	v22 =	vnsel vm3, $0x0, v17  }
.LBB2_3:
0x3e: {  	vm2 =	veq.s32 v19, $0x1;
	vm3 =	veq.s32 v25, $0x2;
	vm4 =	vgt.s32 v20, $0x2;
	s23 =	sadd.s32 $0x10, s23;
	s24 =	sadd.s32 $0x10, s24;
	s25 =	sadd.s32 $0x10, s25  }
0x3f: {  	p0 =	sne.s32 s21, $0x180;
	v19 =	vnsel vm0, $0x0, v13;
	v27 =	vadd.s32 $0xFFFFD8F0, v20;
	s26 =	smov.u32 s21;
	s21 =	sadd.s32 $0x10, s21;
	v26 =	vnsel vm3, $0x0, v17;
	v28 =	vld.idx.msk [tilespmem:v5+s2+$0x0], $0xffff  }
0x40: {  	v14 =	vadd.f32 v14, v18;
	vm0 =	veq.s32 v25, $0x1;
	v18 =	vnsel vm2, $0x0, v13  }
0x41: {  	v19 =	vadd.f32 v19, v23;
	v13 =	vnsel vm1, $0x0, v13;
	v17 =	vnsel vm0, $0x0, v17  }
0x42: {  	vm0 =	veq.s32 v11, $0x2;
	v13 =	vadd.f32 v13, v14;
	v14 =	vsel vm4, v27, v20;
	v6 =	vld.idx.msk [tilespmem:v6+s11+$0x0], $0xffff  }
0x43: {  	v9 =	vadd.f32 v9, v15;
	v15 =	vadd.f32 v24, v19;
	v19 =	vnsel vm0, $0x0, v8  }
0x44: {  	v18 =	vadd.f32 v18, v21;
	v20 =	vadd.s32 $0x2710, v14;
	v13 =	vadd.f32 v22, v13  }
0x45: {  	v9 =	vadd.f32 v12, v9;
	vm0 =	vlt.s32 v14, $0xFFFFFFFE;
	v12 =	vld.idx.msk [tilespmem:v4+s2+$0x0], $0xffff  }
0x46: {  	v17 =	vadd.f32 v17, v18;
	v14 =	vsel vm0, v20, v14;
	v18 =	vsub.s32 v28, v3  }
0x47: {  	v9 =	vadd.f32 v16, v9;
	vm0 =	veq.s32 v14, $0xFFFFFFFE;
	v16 =	vadd.s32 $0xFFFFD8F0, v18  }
0x48: {  	vm1 =	veq.s32 v14, $0x2;
	v20 =	vnsel vm0, $0x0, v6;
	vm0 =	veq.s32 v14, $0xFFFFFFFF  }
0x49: {  	vm2 =	vgt.s32 v18, $0x2;
	v21 =	vnsel vm1, $0x0, v6;
	vm1 =	veq.s32 v11, $0xFFFFFFFF;
	v5 =	vld.idx.msk [tilespmem:v5+s11+$0x0], $0xffff  }
0x4a: {  	v9 =	vadd.f32 v26, v9;
	v11 =	vadd.f32 v20, v15;
	v8 =	vnsel vm1, $0x0, v8  }
0x4b: {  	v15 =	vnsel vm0, $0x0, v6;
	vm0 =	veq.s32 v14, $0x1;
	v14 =	vsel vm2, v16, v18  }
0x4c: {  	vm1 =	vlt.s32 v14, $0xFFFFFFFE;
	v16 =	vadd.s32 $0x2710, v14;
	v12 =	vsub.s32 v12, v3;
	v18 =	vld.idx.msk [tilespmem:v2+s2+$0x0], $0xffff  }
0x4d: {  	v13 =	vadd.f32 v15, v13;
	v14 =	vsel vm1, v16, v14;
	v15 =	vadd.s32 $0xFFFFD8F0, v12  }
0x4e: {  	v10 =	vadd.f32 v10, v11;
	vm1 =	veq.s32 v14, $0xFFFFFFFE;
	vm2 =	veq.s32 v14, $0xFFFFFFFF  }
0x4f: {  	v11 =	vnsel vm1, $0x0, v5;
	v16 =	vnsel vm2, $0x0, v5;
	vm1 =	vgt.s32 v12, $0x2;
	v4 =	vld.idx.msk [tilespmem:v4+s11+$0x0], $0xffff  }
0x50: {  	vm2 =	veq.s32 v14, $0x1;
	v10 =	vadd.f32 v11, v10;
	v11 =	vsel vm1, v15, v12  }
0x51: {  	v12 =	vnsel vm2, $0x0, v5;
	vm1 =	veq.s32 v14, $0x2;
	vm2 =	vlt.s32 v11, $0xFFFFFFFE  }
0x52: {  	v5 =	vnsel vm1, $0x0, v5;
	v14 =	vadd.s32 $0x2710, v11;
	v3 =	vsub.s32 v18, v3  }
0x53: {  	v9 =	vadd.f32 v21, v9;
	v6 =	vnsel vm0, $0x0, v6;
	v11 =	vsel vm2, v14, v11  }
0x54: {  	v6 =	vadd.f32 v6, v17;
	vm0 =	veq.s32 v11, $0xFFFFFFFE;
	vm1 =	veq.s32 v11, $0xFFFFFFFF  }
0x55: {  	v9 =	vadd.f32 v19, v9;
	v15 =	vadd.s32 $0xFFFFD8F0, v3;
	v14 =	vnsel vm0, $0x0, v4  }
0x56: {  	v8 =	vadd.f32 v8, v13;
	vm2 =	vgt.s32 v3, $0x2;
	vm0 =	veq.s32 v11, $0x1  }
0x57: {  	v6 =	vadd.f32 v7, v6;
	v5 =	vadd.f32 v5, v9;
	v7 =	vnsel vm1, $0x0, v4;
	v2 =	vld.idx.msk [tilespmem:v2+s11+$0x0], $0xffff  }
0x58: {  	v3 =	vsel vm2, v15, v3;
	v9 =	vnsel vm0, $0x0, v4;
	vm0 =	veq.s32 v11, $0x2  }
0x59: {  	v10 =	vadd.f32 v14, v10;
	v4 =	vnsel vm0, $0x0, v4;
	vm0 =	vlt.s32 v3, $0xFFFFFFFE  }
0x5a: {  	v8 =	vadd.f32 v16, v8;
	v6 =	vadd.f32 v12, v6;
	v11 =	vadd.s32 $0x2710, v3  }
0x5b: {  	v3 =	vsel vm0, v11, v3  }
0x5c: {  	v7 =	vadd.f32 v7, v8;
	v6 =	vadd.f32 v9, v6;
	vm0 =	veq.s32 v3, $0xFFFFFFFE  }
0x5d: {  	vm1 =	veq.s32 v3, $0x1;
	v8 =	vnsel vm0, $0x0, v2;
	vm0 =	veq.s32 v3, $0xFFFFFFFF  }
0x5e: {  	v4 =	vadd.f32 v4, v5;
	vm2 =	veq.s32 v3, $0x2;
	v5 =	vadd.f32 v8, v10  }
0x5f: {  	v3 =	vnsel vm0, $0x0, v2;
	v8 =	vnsel vm1, $0x0, v2;
	v2 =	vnsel vm2, $0x0, v2  }
0x60: {  	v9 =	vor.u32 s26, v1;
	v3 =	vadd.f32 v3, v7;
	v7 =	vadd.f32 v2, v4;
	[tilespmem:s17+$0x0] =	vst v5;
	s17 =	smov.u32 s23  }
0x61: {  	v10 =	vshll.u32 v9, $0x7;
	v2 =	vadd.f32 v8, v6  }
0x62: {  	v8 =	vor.u32 $0x1, v10;
	v11 =	vor.u32 $0x2, v10;
	v12 =	vor.u32 $0x6, v10;
	[tilespmem:s18+$0x0] =	vst v3;
	s18 =	smov.u32 s24  }
0x63: {  	v16 =	vor.u32 $0x4, v10;
	v6 =	vor.u32 $0x5, v10;
	v5 =	vor.u32 $0x7, v10;
	[tilespmem:s19+$0x0] =	vst v2;
	s19 =	smov.u32 s25  }
0x64: {  	v4 =	vor.u32 $0x8, v10;
	v2 =	vor.u32 $0x9, v10;
	[tilespmem:s20+$0x0] =	vst v7;
	s20 =	smov.u32 s22  }
0x65: {  	v7 =	vor.u32 $0x3, v10  }
0x66: {  	v13 =	vld.idx.msk [tilespmem:v10+s2+$0x0], $0xffff  }
0x67: {  	v14 =	vld.idx.msk [tilespmem:v8+s2+$0x0], $0xffff  }
0x68: {  	v15 =	vld.idx.msk [tilespmem:v12+s2+$0x0], $0xffff  }
0x69: {  	v17 =	vld.idx.msk [tilespmem:v11+s2+$0x0], $0xffff  }
0x6a: {  	v18 =	vld.idx.msk [tilespmem:v7+s2+$0x0], $0xffff  }
0x6b: {  	v3 =	vadd.s32 v0, v9;
	v9 =	vld.idx.msk [tilespmem:v10+s11+$0x0], $0xffff  }
0x6c: {  	v10 =	vsub.s32 v13, v3  }
0x6d: {  	vm0 =	vgt.s32 v10, $0x2;
	v13 =	vadd.s32 $0xFFFFD8F0, v10;
	v19 =	vld.idx.msk [tilespmem:v8+s11+$0x0], $0xffff;
	v8 =	vsub.s32 v14, v3  }
0x6e: {  	v10 =	vsel vm0, v13, v10;
	vm0 =	vgt.s32 v8, $0x2;
	v13 =	vadd.s32 $0xFFFFD8F0, v8  }
0x6f: {  	vm1 =	vlt.s32 v10, $0xFFFFFFFE;
	v8 =	vsel vm0, v13, v8;
	v13 =	vsub.s32 v15, v3  }
0x70: {  	vm0 =	vlt.s32 v8, $0xFFFFFFFE;
	v14 =	vadd.s32 $0x2710, v8;
	vm2 =	vgt.s32 v13, $0x2  }
0x71: {  	v15 =	vadd.s32 $0x2710, v10;
	v8 =	vsel vm0, v14, v8;
	v14 =	vadd.s32 $0xFFFFD8F0, v13  }
0x72: {  	v10 =	vsel vm1, v15, v10;
	vm0 =	veq.s32 v8, $0xFFFFFFFE;
	vm1 =	veq.s32 v8, $0xFFFFFFFF  }
0x73: {  	v15 =	vsub.s32 v17, v3;
	v17 =	vsel vm2, v14, v13;
	v20 =	vnsel vm0, $0x0, v19  }
0x74: {  	v21 =	vnsel vm1, $0x0, v19;
	vm1 =	vgt.s32 v15, $0x2;
	v22 =	vadd.s32 $0x2710, v17  }
0x75: {  	v13 =	vadd.s32 $0xFFFFD8F0, v15;
	v14 =	vsub.s32 v18, v3;
	vm0 =	veq.s32 v8, $0x1  }
0x76: {  	vm2 =	veq.s32 v8, $0x2;
	vm3 =	vgt.s32 v14, $0x2;
	v8 =	vsel vm1, v13, v15;
	v18 =	vld.idx.msk [tilespmem:v11+s11+$0x0], $0xffff  }
0x77: {  	v23 =	vadd.f32 $0.0e+00, v9;
	vm4 =	veq.s32 v10, $0x1;
	v11 =	vadd.s32 $0xFFFFD8F0, v14;
	v15 =	vld.idx.msk [tilespmem:v16+s2+$0x0], $0xffff  }
0x78: {  	v9 =	vnsel vm2, $0x0, v19;
	vm1 =	veq.s32 v10, $0x2;
	v24 =	vadd.s32 $0x2710, v8  }
0x79: {  	vm2 =	vlt.s32 v8, $0xFFFFFFFE;
	v13 =	vld.idx.msk [tilespmem:v7+s11+$0x0], $0xffff;
	v7 =	vsel vm3, v11, v14;
	vm3 =	vlt.s32 v17, $0xFFFFFFFE  }
0x7a: {  	v25 =	vnsel vm4, $0x0, v23;
	v11 =	vsel vm2, v24, v8;
	vm2 =	vlt.s32 v7, $0xFFFFFFFE  }
0x7b: {  	vm4 =	veq.s32 v11, $0xFFFFFFFE;
	vm5 =	veq.s32 v11, $0xFFFFFFFF;
	v24 =	vadd.s32 $0x2710, v7;
	v8 =	vld.idx.msk [tilespmem:v12+s11+$0x0], $0xffff  }
0x7c: {  	vm6 =	veq.s32 v10, $0xFFFFFFFE;
	v26 =	vnsel vm4, $0x0, v18;
	v14 =	vnsel vm5, $0x0, v18  }
0x7d: {  	vm4 =	veq.s32 v11, $0x1;
	vm5 =	veq.s32 v11, $0x2;
	v27 =	vsub.s32 v15, v3  }
0x7e: {  	vm7 =	veq.s32 v10, $0xFFFFFFFF;
	v28 =	vnsel vm0, $0x0, v19;
	v12 =	vnsel vm5, $0x0, v18;
	v29 =	vld.idx.msk [tilespmem:v6+s2+$0x0], $0xffff  }
0x7f: {  	v10 =	vnsel vm7, $0x0, v23;
	v19 =	vsel vm2, v24, v7;
	v11 =	vsel vm3, v22, v17  }
0x80: {  	v15 =	vnsel vm1, $0x0, v23;
	v22 =	vnsel vm4, $0x0, v18;
	vm1 =	veq.s32 v11, $0x1  }
0x81: {  	vm0 =	veq.s32 v19, $0xFFFFFFFE;
	v24 =	vadd.s32 $0xFFFFD8F0, v27;
	v7 =	vnsel vm1, $0x0, v8  }
0x82: {  	v18 =	vadd.f32 v21, v10;
	vm2 =	veq.s32 v11, $0xFFFFFFFE;
	vm1 =	vgt.s32 v27, $0x2;
	v17 =	vld.idx.msk [tilespmem:v16+s11+$0x0], $0xffff  }
0x83: {  	v10 =	vnsel vm2, $0x0, v8;
	v21 =	vsel vm1, v24, v27;
	v16 =	vnsel vm6, $0x0, v23  }
.Ltmp1:
0x84: {  	vm1 =	veq.s32 v19, $0x2;
	vm2 =	vlt.s32 v21, $0xFFFFFFFE;
	v23 =	vadd.f32 v20, v16;
	(pc) =	sbr.rel @p0 .LBB2_3-.Ltmp1, $4  }
0x85: {  	v24 =	vadd.s32 $0x2710, v21;
	v16 =	vnsel vm1, $0x0, v13;
	v20 =	vsub.s32 v29, v3  }
0x86: {  	v27 =	vadd.f32 v28, v25;
	v25 =	vsel vm2, v24, v21;
	v23 =	vadd.f32 v26, v23  }
0x87: {  	vm1 =	veq.s32 v19, $0xFFFFFFFF;
	vm2 =	veq.s32 v25, $0xFFFFFFFE;
	vm3 =	veq.s32 v25, $0xFFFFFFFF  }
0x88: {  	s22 =	sadd.s32 $0x10, s22;
	v21 =	vadd.f32 v22, v27;
	v24 =	vnsel vm2, $0x0, v17;
	v22 =	vnsel vm3, $0x0, v17  }
0x89: {  	vm2 =	veq.s32 v19, $0x1;
	vm3 =	veq.s32 v25, $0x2;
	vm4 =	vgt.s32 v20, $0x2  }
0x8a: {  	v30 =	vnsel vm0, $0x0, v13;
	v27 =	vadd.s32 $0xFFFFD8F0, v20;
	v14 =	vadd.f32 v14, v18  }
0x8b: {  	vm5 =	veq.s32 v25, $0x1;
	v33 =	vnsel vm1, $0x0, v13;
	v9 =	vadd.f32 v9, v15  }
0x8c: {  	vm6 =	veq.s32 v11, $0x2;
	vm10 =	veq.s32 v11, $0xFFFFFFFF;
	v26 =	vnsel vm3, $0x0, v17  }
0x8d: {  	v32 =	vld.idx.msk [tilespmem:v5+s2+$0x0], $0xffff;
	v31 =	vnsel vm2, $0x0, v13;
	v19 =	vadd.f32 v30, v23;
	v34 =	vnsel vm5, $0x0, v17  }
0x8e: {  	v6 =	vld.idx.msk [tilespmem:v6+s11+$0x0], $0xffff;
	v35 =	vsel vm4, v27, v20;
	v37 =	vnsel vm6, $0x0, v8;
	v13 =	vadd.f32 v33, v14  }
0x8f: {  	v40 =	vld.idx.msk [tilespmem:v4+s2+$0x0], $0xffff;
	v46 =	vnsel vm10, $0x0, v8;
	v18 =	vadd.f32 v31, v21;
	v9 =	vadd.f32 v12, v9  }
0x90: {  	v49 =	vld.idx.msk [tilespmem:v2+s2+$0x0], $0xffff;
	v38 =	vadd.s32 $0x2710, v35;
	vm7 =	vlt.s32 v35, $0xFFFFFFFE;
	v36 =	vadd.f32 v24, v19  }
0x91: {  	v12 =	vsel vm7, v38, v35;
	v13 =	vadd.f32 v22, v13;
	v17 =	vadd.f32 v34, v18  }
0x92: {  	v9 =	vadd.f32 v16, v9;
	vm0 =	veq.s32 v12, $0xFFFFFFFE;
	vm8 =	veq.s32 v12, $0x2  }
0x93: {  	vm9 =	veq.s32 v12, $0xFFFFFFFF;
	vm13 =	veq.s32 v12, $0x1;
	v39 =	vsub.s32 v32, v3  }
0x94: {  	v42 =	vnsel vm0, $0x0, v6;
	v43 =	vnsel vm8, $0x0, v6;
	v47 =	vnsel vm9, $0x0, v6  }
0x95: {  	v48 =	vsub.s32 v40, v3;
	v6 =	vnsel vm13, $0x0, v6;
	v3 =	vsub.s32 v49, v3  }
0x96: {  	v41 =	vadd.s32 $0xFFFFD8F0, v39;
	vm11 =	vgt.s32 v39, $0x2;
	v9 =	vadd.f32 v26, v9  }
0x97: {  	v45 =	vadd.f32 v42, v36;
	v13 =	vadd.f32 v47, v13;
	v50 =	vadd.s32 $0xFFFFD8F0, v48  }
0x98: {  	vm15 =	vgt.s32 v48, $0x2;
	v6 =	vadd.f32 v6, v17;
	v57 =	vadd.s32 $0xFFFFD8F0, v3  }
0x99: {  	vm10 =	vgt.s32 v3, $0x2;
	v14 =	vsel vm11, v41, v39;
	v12 =	vsel vm15, v50, v48  }
0x9a: {  	v3 =	vsel vm10, v57, v3;
	vm12 =	vlt.s32 v14, $0xFFFFFFFE;
	v18 =	vadd.s32 $0x2710, v14  }
0x9b: {  	v10 =	vadd.f32 v10, v45;
	vm6 =	vlt.s32 v12, $0xFFFFFFFE;
	v9 =	vadd.f32 v43, v9  }
0x9c: {  	v44 =	vld.idx.msk [tilespmem:v5+s11+$0x0], $0xffff;
	v15 =	vadd.s32 $0x2710, v12;
	v8 =	vadd.f32 v46, v13;
	v6 =	vadd.f32 v7, v6  }
0x9d: {  	v60 =	vadd.s32 $0x2710, v3;
	v14 =	vsel vm12, v18, v14;
	v55 =	vsel vm6, v15, v12  }
0x9e: {  	v53 =	vld.idx.msk [tilespmem:v4+s11+$0x0], $0xffff;
	vm12 =	vlt.s32 v3, $0xFFFFFFFE;
	vm0 =	veq.s32 v14, $0xFFFFFFFE;
	vm14 =	veq.s32 v14, $0xFFFFFFFF  }
0x9f: {  	vm4 =	veq.s32 v14, $0x1;
	vm5 =	veq.s32 v14, $0x2;
	vm7 =	veq.s32 v55, $0xFFFFFFFE  }
0xa0: {  	vm8 =	veq.s32 v55, $0xFFFFFFFF;
	v9 =	vadd.f32 v37, v9;
	vm9 =	veq.s32 v55, $0x1  }
0xa1: {  	vm11 =	veq.s32 v55, $0x2;
	v3 =	vsel vm12, v60, v3;
	v51 =	vnsel vm0, $0x0, v44  }
0xa2: {  	v2 =	vld.idx.msk [tilespmem:v2+s11+$0x0], $0xffff;
	v52 =	vnsel vm14, $0x0, v44;
	v54 =	vnsel vm4, $0x0, v44;
	v5 =	vnsel vm5, $0x0, v44  }
0xa3: {  	v56 =	vnsel vm7, $0x0, v53;
	v58 =	vnsel vm8, $0x0, v53;
	v59 =	vnsel vm9, $0x0, v53  }
0xa4: {  	v4 =	vnsel vm11, $0x0, v53;
	vm13 =	veq.s32 v3, $0xFFFFFFFE;
	v10 =	vadd.f32 v51, v10  }
0xa5: {  	vm14 =	veq.s32 v3, $0xFFFFFFFF;
	vm1 =	veq.s32 v3, $0x1;
	v8 =	vadd.f32 v52, v8  }
0xa6: {  	vm15 =	veq.s32 v3, $0x2;
	v6 =	vadd.f32 v54, v6;
	v10 =	vadd.f32 v56, v10  }
0xa7: {  	v5 =	vadd.f32 v5, v9;
	v61 =	vnsel vm13, $0x0, v2;
	v7 =	vadd.f32 v58, v8  }
0xa8: {  	v63 =	vnsel vm14, $0x0, v2;
	v6 =	vadd.f32 v59, v6;
	v62 =	vadd.f32 v61, v10  }
0xa9: {  	v3 =	vnsel vm1, $0x0, v2;
	v4 =	vadd.f32 v4, v5;
	v7 =	vadd.f32 v63, v7  }
0xaa: {  	v2 =	vnsel vm15, $0x0, v2;
	v3 =	vadd.f32 v3, v6;
	[tilespmem:s17+$0x0] =	vst v62  }
0xab: {  	v2 =	vadd.f32 v2, v4;
	[tilespmem:s18+$0x0] =	vst v7  }
0xac: {  	[tilespmem:s19+$0x0] =	vst v3  }
0xad: {  	[tilespmem:s20+$0x0] =	vst v2  }
0xae: {  	[hbm4b:s4+s2] =	stream.linear.scatter [tilespmem:s12], [sflag:$0x1], $0x190, $0x38;
	[tilespmem:$0x19800] =	vst v63  }
0xaf: {  	_ =	swait.ge [sflag:s10], $0x190  }
0xb0: {  	[sflag:s10] =	ssyncset.done $0x0  }
0xb1: {  	[sflag:s10] =	ssyncadd.s32 $0xFFFFFE70  }
0xb2: {  	[hbm4b:s5+s2] =	stream.linear.scatter [tilespmem:s13], [sflag:$0x1], $0x190, $0x38;
	[tilespmem:$0x19800] =	vst v63  }
0xb3: {  	_ =	swait.ge [sflag:s10], $0x190  }
0xb4: {  	[sflag:s10] =	ssyncset.done $0x0  }
0xb5: {  	[sflag:s10] =	ssyncadd.s32 $0xFFFFFE70  }
0xb6: {  	[hbm4b:s6+s2] =	stream.linear.scatter [tilespmem:s14], [sflag:$0x1], $0x190, $0x38;
	[tilespmem:$0x19800] =	vst v63  }
0xb7: {  	s16 =	sadd.s32 $0x1, s16;
	_ =	swait.ge [sflag:s10], $0x190  }
0xb8: {  	p0 =	sne.s32 s16, s9;
	[sflag:s10] =	ssyncset.done $0x0  }
.Ltmp2:
0xb9: {  	[sflag:s10] =	ssyncadd.s32 $0xFFFFFE70;
	(pc) =	sbr.rel @p0 .LBB2_2-.Ltmp2, $4  }
0xba: {  	[hbm4b:s7+s2] =	stream.linear.scatter [tilespmem:s15], [sflag:$0x1], $0x190, $0x38;
	[tilespmem:$0x19800] =	vst v63  }
0xbb: {  	_ =	swait.ge [sflag:s10], $0x190  }
0xbc: {  	[sflag:s10] =	ssyncset.done $0x0  }
0xbd: {  	[sflag:s10] =	ssyncadd.s32 $0xFFFFFE70  }
.LBB2_5:
0xbe: {  	_ =	sfence.sel $0x180000  }
0xbf: {  	[bflag:$0x0] =	sbarrier.arrive $0xFFFF  }
0xc0: {  	p0 =	sne.s32 s0, $0x0;
	_ =	strace $0x90000047  }
0xc1: {  	s0 =	sadd.s32 @!p0 $0x100000, s1;
	[bflag:$0x2] =	sbarrier.arrive $0xFFFF  }
0xc2: {  	[sflag:s0] =	ssyncadd.tile.s32 @!p0 $0x1;
	_ =	shalt  }
.Lfunc_end2:
_tile_overlayer_lowered:
.L_overlay_start_2:
0xc3: {  	(tag) =	ssettag $0x2  }
0xc4: {  	s0 =	rddreg [dreg:$0x0];
	s2 =	stileid.u32  }
0xc5: {  	s1 =	rddreg [dreg:$0x1];
	p0 =	sne.s32 s2, $0x0  }
0xc6: {  	s3 =	rddreg [dreg:$0x2];
	[bflag:$0x3] =	sbarrier.arrive $0xFFFF;
	s2 =	simm.s32 @!p0 $0x1C01  }
0xc7: {  	[timem:s3], [sflag:s2] =	dma.local @!p0 [hbm:s0], s1  }
0xc8: {  	s0 =	simm.s32 @!p0 $0x1  }
0xc9: {  	_ =	swait.ge @!p0 [sflag:s0], s1  }
0xca: {  	s1 =	ssub.s32 @!p0 $0x0, s1;
	[sflag:s0] =	ssyncset.done @!p0 $0x0  }
0xcb: {  	[sflag:s0] =	ssyncadd.s32 @!p0 s1  }
0xcc: {  	[bflag:$0x3] =	sbarrier.arrive $0xFFFF  }
0xcd: {  	_ =	shalt  }

</sc_bundles>
